<compile_context>
chip_gen: v7x
topology: tpu7x:2x2x1
jax: 0.10.2.dev20260603
libtpu: 0.0.44.dev20260713+nightly
codegen_flags: <defaults>
</compile_context>

<pallas_src>
import functools

import jax
import jax.numpy as jnp
from jax import lax
from jax.experimental import pallas as pl
from jax.experimental.pallas import tpu as pltpu
from jax.experimental.pallas import tpu_sc as plsc

N, C, D, K = 9216, 192, 64, 1024
F = C + D

BN = 1024
NA = 4096
NB_ROWS = N - NA

_NC, _NS = 2, 16
_NW = _NC * _NS



def _encode_argmin(x, we, be, cb):
    z = (jnp.dot(x, we, preferred_element_type=jnp.float32) + be)
    scores = lax.dot_general(z, cb, (((1,), (1,)), ((), ())),
                             preferred_element_type=jnp.float32)
    znorm = jnp.sum(z * z, axis=1, keepdims=True)
    cnorm = jnp.sum(cb * cb, axis=1)[None, :]
    d2 = znorm - 2.0 * scores + cnorm
    dist = jnp.sqrt(jnp.clip(d2, 0.0, None))
    idx = jnp.argmin(dist, axis=1).astype(jnp.int32)
    return z, idx


def _tc_body_a(x_ref, we_ref, be_ref, cb_ref, wd_ref, bd_ref,
               ze_ref, idx_ref, tab_ref):
    cb = cb_ref[...]

    @pl.when(pl.program_id(0) == 0)
    def _():
        cbdec = (jnp.dot(cb, wd_ref[...], preferred_element_type=jnp.float32)
                 + bd_ref[...])
        tab_ref[...] = jnp.concatenate([cbdec, cb], axis=1)

    z, idx = _encode_argmin(x_ref[...], we_ref[...], be_ref[...], cb)
    ze_ref[...] = z
    idx_ref[...] = idx


def _tc_body_b(x_ref, we_ref, be_ref, cb_ref, ze_ref, idx_ref):
    z, idx = _encode_argmin(x_ref[...], we_ref[...], be_ref[...], cb_ref[...])
    ze_ref[...] = z
    idx_ref[...] = idx


_common_in_specs = [
    pl.BlockSpec((C, D), lambda i: (0, 0)),
    pl.BlockSpec((1, D), lambda i: (0, 0)),
    pl.BlockSpec((K, D), lambda i: (0, 0)),
]

_tc_call_a = pl.pallas_call(
    _tc_body_a,
    grid=(NA // BN,),
    in_specs=[pl.BlockSpec((BN, C), lambda i: (i, 0))] + _common_in_specs + [
        pl.BlockSpec((D, C), lambda i: (0, 0)),
        pl.BlockSpec((1, C), lambda i: (0, 0)),
    ],
    out_specs=[
        pl.BlockSpec((BN, D), lambda i: (i, 0)),
        pl.BlockSpec((BN,), lambda i: (i,)),
        pl.BlockSpec((K, F), lambda i: (0, 0)),
    ],
    out_shape=[
        jax.ShapeDtypeStruct((NA, D), jnp.float32),
        jax.ShapeDtypeStruct((NA,), jnp.int32),
        jax.ShapeDtypeStruct((K, F), jnp.float32),
    ],
    compiler_params=pltpu.CompilerParams(
        dimension_semantics=("arbitrary",),
    ),
)

_tc_call_b = pl.pallas_call(
    _tc_body_b,
    grid=(NB_ROWS // BN,),
    in_specs=[pl.BlockSpec((BN, C), lambda i: (i + NA // BN, 0))]
    + _common_in_specs,
    out_specs=[
        pl.BlockSpec((BN, D), lambda i: (i, 0)),
        pl.BlockSpec((BN,), lambda i: (i,)),
    ],
    out_shape=[
        jax.ShapeDtypeStruct((NB_ROWS, D), jnp.float32),
        jax.ShapeDtypeStruct((NB_ROWS,), jnp.int32),
    ],
    compiler_params=pltpu.CompilerParams(
        dimension_semantics=("arbitrary",),
    ),
)



@functools.cache
def _sc_gather_call(n_rows):
    b_per_w = n_rows // _NW
    nchunk = 1 if b_per_w <= 128 else (2 if b_per_w <= 256 else 3)
    chunk = b_per_w // nchunk
    mesh = plsc.VectorSubcoreMesh(
        core_axis_name="c", subcore_axis_name="s", num_cores=_NC)

    @functools.partial(
        pl.kernel,
        mesh=mesh,
        out_type=jax.ShapeDtypeStruct((n_rows, F), jnp.float32),
        scratch_types=[
            pltpu.VMEM((b_per_w,), jnp.int32),
            pltpu.VMEM((b_per_w, F), jnp.float32),
            pltpu.SemaphoreType.DMA,
            pltpu.SemaphoreType.DMA,
        ],
    )
    def _sc_gather(tab_hbm, idx_hbm, out_hbm, idx_v, buf, gsem, wsem):
        wid = lax.axis_index("s") * _NC + lax.axis_index("c")
        base = wid * b_per_w
        pltpu.sync_copy(idx_hbm.at[pl.ds(base, b_per_w)], idx_v)
        gathers = [
            pltpu.async_copy(
                tab_hbm.at[idx_v.at[pl.ds(j * chunk, chunk)]],
                buf.at[pl.ds(j * chunk, chunk)], gsem)
            for j in range(nchunk)
        ]
        writes = []
        for j in range(nchunk):
            gathers[j].wait()
            rows = pl.ds(j * chunk, chunk)
            writes.append(pltpu.async_copy(
                buf.at[rows],
                out_hbm.at[pl.ds(base + j * chunk, chunk)], wsem))
        for w in writes:
            w.wait()

    return _sc_gather




def kernel(x, W_enc, b_enc, codebook, W_dec, b_dec):
    be = b_enc.reshape(1, D)
    z_e_a, idx_a, tab = _tc_call_a(
        x, W_enc, be, codebook, W_dec, b_dec.reshape(1, C))
    out_a = _sc_gather_call(NA)(tab, idx_a)
    z_e_b, idx_b = _tc_call_b(x, W_enc, be, codebook)
    out_b = _sc_gather_call(NB_ROWS)(tab, idx_b)
    z_e = jnp.concatenate([z_e_a, z_e_b], axis=0)
    indices = jnp.concatenate([idx_a, idx_b], axis=0)
    x_hat = jnp.concatenate([out_a[:, :C], out_b[:, :C]], axis=0)
    z_q = jnp.concatenate([out_a[:, C:], out_b[:, C:]], axis=0)
    return (x_hat, z_e, z_q, indices)

# --- scband reference (transcript-rebuilt; emitter-appended) ---
"""Pipeline reference for scband-vqvae-9062380995256 (READ-ONLY COPY).

The authoritative reference and input builder live on the scoring server;
editing this copy changes nothing except your own understanding.
"""

import jax, jax.numpy as jnp
import numpy as np

N, C, D, K = 9216, 192, 64, 1024

def setup_inputs(seed: int = 0) -> dict:
    key = jax.random.key(seed)
    ks = jax.random.split(key, 6)
    x = jax.random.normal(ks[0], (N, C), dtype=jnp.float32)
    # encoder / decoder stand-ins: single linear layers (the original module
    # leaves encoder/decoder unspecified with `...`)
    W_enc = jax.random.normal(ks[1], (C, D), dtype=jnp.float32) * (1.0 / np.sqrt(C))
    b_enc = jnp.zeros((D,), dtype=jnp.float32)
    # frozen precomputed codebook (nn.Embedding.from_pretrained, freeze=True)
    codebook = jax.random.normal(ks[2], (K, D), dtype=jnp.float32)
    W_dec = jax.random.normal(ks[3], (D, C), dtype=jnp.float32) * (1.0 / np.sqrt(D))
    b_dec = jnp.zeros((C,), dtype=jnp.float32)
    return {"x": x, "W_enc": W_enc, "b_enc": b_enc, "codebook": codebook, "W_dec": W_dec, "b_dec": b_dec}

def reference(x, W_enc, b_enc, codebook, W_dec, b_dec):
    # encoder
    z_e = x @ W_enc + b_enc  # [N, D]
    # quantize: torch.cdist (euclidean) then argmin over codebook rows
    d2 = (jnp.sum(z_e * z_e, axis=1, keepdims=True)
          - 2.0 * (z_e @ codebook.T)
          + jnp.sum(codebook * codebook, axis=1)[None, :])  # [N, K]
    distances = jnp.sqrt(jnp.clip(d2, 0.0, None))
    indices = jnp.argmin(distances, axis=1)  # [N]
    z_q = jnp.take(codebook, indices, axis=0)  # embedding lookup, [N, D]
    # decoder
    x_hat = z_q @ W_dec + b_dec  # [N, C]
    return (x_hat, z_e, z_q, indices)

if __name__ == "__main__":
    import jax
    _d = setup_inputs()
    print(jax.jit(kernel)(*tuple(_d.values())))

</pallas_src>

<mosaic_0001>
#map = affine_map<(d0, d1) -> (0, 0)>
#map1 = affine_map<(d0, d1) -> (0)>
module attributes {stable_mosaic.version = 14 : i64} {
  func.func @_sc_gather(%arg0: i32, %arg1: i32, %arg2: memref<1024x256xf32, #tpu.memory_space<hbm>>, %arg3: memref<5120xi32, #tpu.memory_space<hbm>>, %arg4: memref<5120x256xf32, #tpu.memory_space<hbm>>, %arg5: memref<160xi32, #tpu.memory_space<vmem>>, %arg6: memref<160x256xf32, #tpu.memory_space<vmem>>, %arg7: memref<!tpu.dma_semaphore, #tpu.memory_space<semaphore_mem>>, %arg8: memref<!tpu.dma_semaphore, #tpu.memory_space<semaphore_mem>>) attributes {dimension_semantics = [#tpu.dimension_semantics<core_parallel>, #tpu.dimension_semantics<subcore_parallel>], iteration_bounds = array<i64: 2, 16>, scalar_prefetch = 0 : i64, scratch_operands = 4 : i64, tpu.core_type = #tpu.core_type<sc_vector_subcore>, window_params = [{transform_indices = #map}, {transform_indices = #map1}, {transform_indices = #map}]} {
    %mul3A = arith.constant 2 : i32
    %mul3A_0 = arith.muli %arg1, %mul3A : i32
    %add3A = arith.addi %mul3A_0, %arg0 : i32
    %mul3A_1 = arith.constant 160 : i32
    %mul3A_2 = arith.muli %add3A, %mul3A_1 : i32
    "tpu.region"() ({
      %run_scoped3A = tpu.sem_alloc : memref<!tpu.dma_semaphore, #tpu.memory_space<semaphore_mem>>
      %dma_start3A_77 = tpu.memref_slice %arg3[%mul3A_2] : memref<5120xi32, #tpu.memory_space<hbm>> -> memref<160xi32, #tpu.memory_space<hbm>>
      %dma_start3A_78 = tpu.memref_slice %arg3[%mul3A_2] : memref<5120xi32, #tpu.memory_space<hbm>> -> memref<160xi32, #tpu.memory_space<hbm>>
      tpu.enqueue_dma source(%dma_start3A_78 : memref<160xi32, #tpu.memory_space<hbm>>) target(%arg5 : memref<160xi32, #tpu.memory_space<vmem>>) target_semaphore(%run_scoped3A : memref<!tpu.dma_semaphore, #tpu.memory_space<semaphore_mem>>)
      %dma_wait3A_79 = tpu.memref_slice %arg3[%mul3A_2] : memref<5120xi32, #tpu.memory_space<hbm>> -> memref<160xi32, #tpu.memory_space<hbm>>
      %dma_wait3A_80 = tpu.memref_slice %arg3[%mul3A_2] : memref<5120xi32, #tpu.memory_space<hbm>> -> memref<160xi32, #tpu.memory_space<hbm>>
      tpu.wait_dma2 semaphore(%run_scoped3A : memref<!tpu.dma_semaphore, #tpu.memory_space<semaphore_mem>>) src(%dma_wait3A_80 : memref<160xi32, #tpu.memory_space<hbm>>) dst(%arg5 : memref<160xi32, #tpu.memory_space<vmem>>)
      tpu.yield
    }) : () -> ()
    %dma_start3A = arith.constant 0 : i32
    %dma_start3A_3 = arith.constant 0 : i32
    %dma_start3A_4 = tpu.memref_slice %arg6[%dma_start3A, %dma_start3A_3] : memref<160x256xf32, #tpu.memory_space<vmem>> -> memref<80x256xf32, #tpu.memory_space<vmem>>
    %dma_start3A_5 = arith.constant 0 : i32
    %dma_start3A_6 = tpu.memref_slice %arg5[%dma_start3A_5] : memref<160xi32, #tpu.memory_space<vmem>> -> memref<80xi32, #tpu.memory_space<vmem>>
    %dma_start3A_7 = arith.constant 0 : i32
    %dma_start3A_8 = arith.constant 0 : i32
    %dma_start3A_9 = tpu.memref_slice %arg2[%dma_start3A_7, %dma_start3A_8] : memref<1024x256xf32, #tpu.memory_space<hbm>> -> memref<1024x256xf32, #tpu.memory_space<hbm>>
    tpu.enqueue_indirect_dma source(%dma_start3A_9 : memref<1024x256xf32, #tpu.memory_space<hbm>>) target(%dma_start3A_4 : memref<80x256xf32, #tpu.memory_space<vmem>>) offsets(%dma_start3A_6 : memref<80xi32, #tpu.memory_space<vmem>>) semaphore(%arg7 : memref<!tpu.dma_semaphore, #tpu.memory_space<semaphore_mem>>)
    %dma_start3A_10 = arith.constant 80 : i32
    %dma_start3A_11 = arith.constant 0 : i32
    %dma_start3A_12 = tpu.memref_slice %arg6[%dma_start3A_10, %dma_start3A_11] : memref<160x256xf32, #tpu.memory_space<vmem>> -> memref<80x256xf32, #tpu.memory_space<vmem>>
    %dma_start3A_13 = arith.constant 80 : i32
    %dma_start3A_14 = tpu.memref_slice %arg5[%dma_start3A_13] : memref<160xi32, #tpu.memory_space<vmem>> -> memref<80xi32, #tpu.memory_space<vmem>>
    %dma_start3A_15 = arith.constant 0 : i32
    %dma_start3A_16 = arith.constant 0 : i32
    %dma_start3A_17 = tpu.memref_slice %arg2[%dma_start3A_15, %dma_start3A_16] : memref<1024x256xf32, #tpu.memory_space<hbm>> -> memref<1024x256xf32, #tpu.memory_space<hbm>>
    tpu.enqueue_indirect_dma source(%dma_start3A_17 : memref<1024x256xf32, #tpu.memory_space<hbm>>) target(%dma_start3A_12 : memref<80x256xf32, #tpu.memory_space<vmem>>) offsets(%dma_start3A_14 : memref<80xi32, #tpu.memory_space<vmem>>) semaphore(%arg7 : memref<!tpu.dma_semaphore, #tpu.memory_space<semaphore_mem>>)
    %dma_wait3A = arith.constant 0 : i32
    %dma_wait3A_18 = arith.constant 0 : i32
    %dma_wait3A_19 = tpu.memref_slice %arg6[%dma_wait3A, %dma_wait3A_18] : memref<160x256xf32, #tpu.memory_space<vmem>> -> memref<80x256xf32, #tpu.memory_space<vmem>>
    %dma_wait3A_20 = arith.constant 0 : i32
    %dma_wait3A_21 = tpu.memref_slice %arg5[%dma_wait3A_20] : memref<160xi32, #tpu.memory_space<vmem>> -> memref<80xi32, #tpu.memory_space<vmem>>
    %dma_wait3A_22 = arith.constant 0 : i32
    %dma_wait3A_23 = arith.constant 0 : i32
    %dma_wait3A_24 = tpu.memref_slice %arg2[%dma_wait3A_22, %dma_wait3A_23] : memref<1024x256xf32, #tpu.memory_space<hbm>> -> memref<1024x256xf32, #tpu.memory_space<hbm>>
    tpu.wait_indirect_dma semaphore(%arg7 : memref<!tpu.dma_semaphore, #tpu.memory_space<semaphore_mem>>) src(%dma_wait3A_24 : memref<1024x256xf32, #tpu.memory_space<hbm>>) dst(%dma_wait3A_19 : memref<80x256xf32, #tpu.memory_space<vmem>>)
    %add3A_25 = arith.constant 0 : i32
    %add3A_26 = arith.addi %mul3A_2, %add3A_25 : i32
    %dma_start3A_27 = arith.constant 0 : i32
    %dma_start3A_28 = arith.constant 0 : i32
    %dma_start3A_29 = tpu.memref_slice %arg6[%dma_start3A_27, %dma_start3A_28] : memref<160x256xf32, #tpu.memory_space<vmem>> -> memref<80x256xf32, #tpu.memory_space<vmem>>
    %dma_start3A_30 = arith.constant 0 : i32
    %dma_start3A_31 = tpu.memref_slice %arg4[%add3A_26, %dma_start3A_30] : memref<5120x256xf32, #tpu.memory_space<hbm>> -> memref<80x256xf32, #tpu.memory_space<hbm>>
    %dma_start3A_32 = arith.constant 0 : i32
    %dma_start3A_33 = tpu.memref_slice %arg4[%add3A_26, %dma_start3A_32] : memref<5120x256xf32, #tpu.memory_space<hbm>> -> memref<80x256xf32, #tpu.memory_space<hbm>>
    %dma_start3A_34 = arith.constant 0 : i32
    %dma_start3A_35 = arith.constant 0 : i32
    %dma_start3A_36 = tpu.memref_slice %arg6[%dma_start3A_34, %dma_start3A_35] : memref<160x256xf32, #tpu.memory_space<vmem>> -> memref<80x256xf32, #tpu.memory_space<vmem>>
    tpu.enqueue_dma source(%dma_start3A_36 : memref<80x256xf32, #tpu.memory_space<vmem>>) target(%dma_start3A_33 : memref<80x256xf32, #tpu.memory_space<hbm>>) target_semaphore(%arg8 : memref<!tpu.dma_semaphore, #tpu.memory_space<semaphore_mem>>)
    %dma_wait3A_37 = arith.constant 80 : i32
    %dma_wait3A_38 = arith.constant 0 : i32
    %dma_wait3A_39 = tpu.memref_slice %arg6[%dma_wait3A_37, %dma_wait3A_38] : memref<160x256xf32, #tpu.memory_space<vmem>> -> memref<80x256xf32, #tpu.memory_space<vmem>>
    %dma_wait3A_40 = arith.constant 80 : i32
    %dma_wait3A_41 = tpu.memref_slice %arg5[%dma_wait3A_40] : memref<160xi32, #tpu.memory_space<vmem>> -> memref<80xi32, #tpu.memory_space<vmem>>
    %dma_wait3A_42 = arith.constant 0 : i32
    %dma_wait3A_43 = arith.constant 0 : i32
    %dma_wait3A_44 = tpu.memref_slice %arg2[%dma_wait3A_42, %dma_wait3A_43] : memref<1024x256xf32, #tpu.memory_space<hbm>> -> memref<1024x256xf32, #tpu.memory_space<hbm>>
    tpu.wait_indirect_dma semaphore(%arg7 : memref<!tpu.dma_semaphore, #tpu.memory_space<semaphore_mem>>) src(%dma_wait3A_44 : memref<1024x256xf32, #tpu.memory_space<hbm>>) dst(%dma_wait3A_39 : memref<80x256xf32, #tpu.memory_space<vmem>>)
    %add3A_45 = arith.constant 80 : i32
    %add3A_46 = arith.addi %mul3A_2, %add3A_45 : i32
    %dma_start3A_47 = arith.constant 80 : i32
    %dma_start3A_48 = arith.constant 0 : i32
    %dma_start3A_49 = tpu.memref_slice %arg6[%dma_start3A_47, %dma_start3A_48] : memref<160x256xf32, #tpu.memory_space<vmem>> -> memref<80x256xf32, #tpu.memory_space<vmem>>
    %dma_start3A_50 = arith.constant 0 : i32
    %dma_start3A_51 = tpu.memref_slice %arg4[%add3A_46, %dma_start3A_50] : memref<5120x256xf32, #tpu.memory_space<hbm>> -> memref<80x256xf32, #tpu.memory_space<hbm>>
    %dma_start3A_52 = arith.constant 0 : i32
    %dma_start3A_53 = tpu.memref_slice %arg4[%add3A_46, %dma_start3A_52] : memref<5120x256xf32, #tpu.memory_space<hbm>> -> memref<80x256xf32, #tpu.memory_space<hbm>>
    %dma_start3A_54 = arith.constant 80 : i32
    %dma_start3A_55 = arith.constant 0 : i32
    %dma_start3A_56 = tpu.memref_slice %arg6[%dma_start3A_54, %dma_start3A_55] : memref<160x256xf32, #tpu.memory_space<vmem>> -> memref<80x256xf32, #tpu.memory_space<vmem>>
    tpu.enqueue_dma source(%dma_start3A_56 : memref<80x256xf32, #tpu.memory_space<vmem>>) target(%dma_start3A_53 : memref<80x256xf32, #tpu.memory_space<hbm>>) target_semaphore(%arg8 : memref<!tpu.dma_semaphore, #tpu.memory_space<semaphore_mem>>)
    %dma_wait3A_57 = arith.constant 0 : i32
    %dma_wait3A_58 = arith.constant 0 : i32
    %dma_wait3A_59 = tpu.memref_slice %arg6[%dma_wait3A_57, %dma_wait3A_58] : memref<160x256xf32, #tpu.memory_space<vmem>> -> memref<80x256xf32, #tpu.memory_space<vmem>>
    %dma_wait3A_60 = arith.constant 0 : i32
    %dma_wait3A_61 = tpu.memref_slice %arg4[%add3A_26, %dma_wait3A_60] : memref<5120x256xf32, #tpu.memory_space<hbm>> -> memref<80x256xf32, #tpu.memory_space<hbm>>
    %dma_wait3A_62 = arith.constant 0 : i32
    %dma_wait3A_63 = tpu.memref_slice %arg4[%add3A_26, %dma_wait3A_62] : memref<5120x256xf32, #tpu.memory_space<hbm>> -> memref<80x256xf32, #tpu.memory_space<hbm>>
    %dma_wait3A_64 = arith.constant 0 : i32
    %dma_wait3A_65 = arith.constant 0 : i32
    %dma_wait3A_66 = tpu.memref_slice %arg6[%dma_wait3A_64, %dma_wait3A_65] : memref<160x256xf32, #tpu.memory_space<vmem>> -> memref<80x256xf32, #tpu.memory_space<vmem>>
    tpu.wait_dma2 semaphore(%arg8 : memref<!tpu.dma_semaphore, #tpu.memory_space<semaphore_mem>>) src(%dma_wait3A_66 : memref<80x256xf32, #tpu.memory_space<vmem>>) dst(%dma_wait3A_63 : memref<80x256xf32, #tpu.memory_space<hbm>>)
    %dma_wait3A_67 = arith.constant 80 : i32
    %dma_wait3A_68 = arith.constant 0 : i32
    %dma_wait3A_69 = tpu.memref_slice %arg6[%dma_wait3A_67, %dma_wait3A_68] : memref<160x256xf32, #tpu.memory_space<vmem>> -> memref<80x256xf32, #tpu.memory_space<vmem>>
    %dma_wait3A_70 = arith.constant 0 : i32
    %dma_wait3A_71 = tpu.memref_slice %arg4[%add3A_46, %dma_wait3A_70] : memref<5120x256xf32, #tpu.memory_space<hbm>> -> memref<80x256xf32, #tpu.memory_space<hbm>>
    %dma_wait3A_72 = arith.constant 0 : i32
    %dma_wait3A_73 = tpu.memref_slice %arg4[%add3A_46, %dma_wait3A_72] : memref<5120x256xf32, #tpu.memory_space<hbm>> -> memref<80x256xf32, #tpu.memory_space<hbm>>
    %dma_wait3A_74 = arith.constant 80 : i32
    %dma_wait3A_75 = arith.constant 0 : i32
    %dma_wait3A_76 = tpu.memref_slice %arg6[%dma_wait3A_74, %dma_wait3A_75] : memref<160x256xf32, #tpu.memory_space<vmem>> -> memref<80x256xf32, #tpu.memory_space<vmem>>
    tpu.wait_dma2 semaphore(%arg8 : memref<!tpu.dma_semaphore, #tpu.memory_space<semaphore_mem>>) src(%dma_wait3A_76 : memref<80x256xf32, #tpu.memory_space<vmem>>) dst(%dma_wait3A_73 : memref<80x256xf32, #tpu.memory_space<hbm>>)
    return
  }
}

#map = affine_map<(d0, d1) -> (0, 0)>
#map1 = affine_map<(d0, d1) -> (0)>
module attributes {stable_mosaic.version = 14 : i64} {
  func.func @_sc_gather(%arg0: i32, %arg1: i32, %arg2: memref<1024x256xf32, #tpu.memory_space<hbm>>, %arg3: memref<4096xi32, #tpu.memory_space<hbm>>, %arg4: memref<4096x256xf32, #tpu.memory_space<hbm>>, %arg5: memref<128xi32, #tpu.memory_space<vmem>>, %arg6: memref<128x256xf32, #tpu.memory_space<vmem>>, %arg7: memref<!tpu.dma_semaphore, #tpu.memory_space<semaphore_mem>>, %arg8: memref<!tpu.dma_semaphore, #tpu.memory_space<semaphore_mem>>) attributes {dimension_semantics = [#tpu.dimension_semantics<core_parallel>, #tpu.dimension_semantics<subcore_parallel>], iteration_bounds = array<i64: 2, 16>, scalar_prefetch = 0 : i64, scratch_operands = 4 : i64, tpu.core_type = #tpu.core_type<sc_vector_subcore>, window_params = [{transform_indices = #map}, {transform_indices = #map1}, {transform_indices = #map}]} {
    %mul3A = arith.constant 2 : i32
    %mul3A_0 = arith.muli %arg1, %mul3A : i32
    %add3A = arith.addi %mul3A_0, %arg0 : i32
    %mul3A_1 = arith.constant 128 : i32
    %mul3A_2 = arith.muli %add3A, %mul3A_1 : i32
    "tpu.region"() ({
      %run_scoped3A = tpu.sem_alloc : memref<!tpu.dma_semaphore, #tpu.memory_space<semaphore_mem>>
      %dma_start3A_39 = tpu.memref_slice %arg3[%mul3A_2] : memref<4096xi32, #tpu.memory_space<hbm>> -> memref<128xi32, #tpu.memory_space<hbm>>
      %dma_start3A_40 = tpu.memref_slice %arg3[%mul3A_2] : memref<4096xi32, #tpu.memory_space<hbm>> -> memref<128xi32, #tpu.memory_space<hbm>>
      tpu.enqueue_dma source(%dma_start3A_40 : memref<128xi32, #tpu.memory_space<hbm>>) target(%arg5 : memref<128xi32, #tpu.memory_space<vmem>>) target_semaphore(%run_scoped3A : memref<!tpu.dma_semaphore, #tpu.memory_space<semaphore_mem>>)
      %dma_wait3A_41 = tpu.memref_slice %arg3[%mul3A_2] : memref<4096xi32, #tpu.memory_space<hbm>> -> memref<128xi32, #tpu.memory_space<hbm>>
      %dma_wait3A_42 = tpu.memref_slice %arg3[%mul3A_2] : memref<4096xi32, #tpu.memory_space<hbm>> -> memref<128xi32, #tpu.memory_space<hbm>>
      tpu.wait_dma2 semaphore(%run_scoped3A : memref<!tpu.dma_semaphore, #tpu.memory_space<semaphore_mem>>) src(%dma_wait3A_42 : memref<128xi32, #tpu.memory_space<hbm>>) dst(%arg5 : memref<128xi32, #tpu.memory_space<vmem>>)
      tpu.yield
    }) : () -> ()
    %dma_start3A = arith.constant 0 : i32
    %dma_start3A_3 = arith.constant 0 : i32
    %dma_start3A_4 = tpu.memref_slice %arg6[%dma_start3A, %dma_start3A_3] : memref<128x256xf32, #tpu.memory_space<vmem>> -> memref<128x256xf32, #tpu.memory_space<vmem>>
    %dma_start3A_5 = arith.constant 0 : i32
    %dma_start3A_6 = tpu.memref_slice %arg5[%dma_start3A_5] : memref<128xi32, #tpu.memory_space<vmem>> -> memref<128xi32, #tpu.memory_space<vmem>>
    %dma_start3A_7 = arith.constant 0 : i32
    %dma_start3A_8 = arith.constant 0 : i32
    %dma_start3A_9 = tpu.memref_slice %arg2[%dma_start3A_7, %dma_start3A_8] : memref<1024x256xf32, #tpu.memory_space<hbm>> -> memref<1024x256xf32, #tpu.memory_space<hbm>>
    tpu.enqueue_indirect_dma source(%dma_start3A_9 : memref<1024x256xf32, #tpu.memory_space<hbm>>) target(%dma_start3A_4 : memref<128x256xf32, #tpu.memory_space<vmem>>) offsets(%dma_start3A_6 : memref<128xi32, #tpu.memory_space<vmem>>) semaphore(%arg7 : memref<!tpu.dma_semaphore, #tpu.memory_space<semaphore_mem>>)
    %dma_wait3A = arith.constant 0 : i32
    %dma_wait3A_10 = arith.constant 0 : i32
    %dma_wait3A_11 = tpu.memref_slice %arg6[%dma_wait3A, %dma_wait3A_10] : memref<128x256xf32, #tpu.memory_space<vmem>> -> memref<128x256xf32, #tpu.memory_space<vmem>>
    %dma_wait3A_12 = arith.constant 0 : i32
    %dma_wait3A_13 = tpu.memref_slice %arg5[%dma_wait3A_12] : memref<128xi32, #tpu.memory_space<vmem>> -> memref<128xi32, #tpu.memory_space<vmem>>
    %dma_wait3A_14 = arith.constant 0 : i32
    %dma_wait3A_15 = arith.constant 0 : i32
    %dma_wait3A_16 = tpu.memref_slice %arg2[%dma_wait3A_14, %dma_wait3A_15] : memref<1024x256xf32, #tpu.memory_space<hbm>> -> memref<1024x256xf32, #tpu.memory_space<hbm>>
    tpu.wait_indirect_dma semaphore(%arg7 : memref<!tpu.dma_semaphore, #tpu.memory_space<semaphore_mem>>) src(%dma_wait3A_16 : memref<1024x256xf32, #tpu.memory_space<hbm>>) dst(%dma_wait3A_11 : memref<128x256xf32, #tpu.memory_space<vmem>>)
    %add3A_17 = arith.constant 0 : i32
    %add3A_18 = arith.addi %mul3A_2, %add3A_17 : i32
    %dma_start3A_19 = arith.constant 0 : i32
    %dma_start3A_20 = arith.constant 0 : i32
    %dma_start3A_21 = tpu.memref_slice %arg6[%dma_start3A_19, %dma_start3A_20] : memref<128x256xf32, #tpu.memory_space<vmem>> -> memref<128x256xf32, #tpu.memory_space<vmem>>
    %dma_start3A_22 = arith.constant 0 : i32
    %dma_start3A_23 = tpu.memref_slice %arg4[%add3A_18, %dma_start3A_22] : memref<4096x256xf32, #tpu.memory_space<hbm>> -> memref<128x256xf32, #tpu.memory_space<hbm>>
    %dma_start3A_24 = arith.constant 0 : i32
    %dma_start3A_25 = tpu.memref_slice %arg4[%add3A_18, %dma_start3A_24] : memref<4096x256xf32, #tpu.memory_space<hbm>> -> memref<128x256xf32, #tpu.memory_space<hbm>>
    %dma_start3A_26 = arith.constant 0 : i32
    %dma_start3A_27 = arith.constant 0 : i32
    %dma_start3A_28 = tpu.memref_slice %arg6[%dma_start3A_26, %dma_start3A_27] : memref<128x256xf32, #tpu.memory_space<vmem>> -> memref<128x256xf32, #tpu.memory_space<vmem>>
    tpu.enqueue_dma source(%dma_start3A_28 : memref<128x256xf32, #tpu.memory_space<vmem>>) target(%dma_start3A_25 : memref<128x256xf32, #tpu.memory_space<hbm>>) target_semaphore(%arg8 : memref<!tpu.dma_semaphore, #tpu.memory_space<semaphore_mem>>)
    %dma_wait3A_29 = arith.constant 0 : i32
    %dma_wait3A_30 = arith.constant 0 : i32
    %dma_wait3A_31 = tpu.memref_slice %arg6[%dma_wait3A_29, %dma_wait3A_30] : memref<128x256xf32, #tpu.memory_space<vmem>> -> memref<128x256xf32, #tpu.memory_space<vmem>>
    %dma_wait3A_32 = arith.constant 0 : i32
    %dma_wait3A_33 = tpu.memref_slice %arg4[%add3A_18, %dma_wait3A_32] : memref<4096x256xf32, #tpu.memory_space<hbm>> -> memref<128x256xf32, #tpu.memory_space<hbm>>
    %dma_wait3A_34 = arith.constant 0 : i32
    %dma_wait3A_35 = tpu.memref_slice %arg4[%add3A_18, %dma_wait3A_34] : memref<4096x256xf32, #tpu.memory_space<hbm>> -> memref<128x256xf32, #tpu.memory_space<hbm>>
    %dma_wait3A_36 = arith.constant 0 : i32
    %dma_wait3A_37 = arith.constant 0 : i32
    %dma_wait3A_38 = tpu.memref_slice %arg6[%dma_wait3A_36, %dma_wait3A_37] : memref<128x256xf32, #tpu.memory_space<vmem>> -> memref<128x256xf32, #tpu.memory_space<vmem>>
    tpu.wait_dma2 semaphore(%arg8 : memref<!tpu.dma_semaphore, #tpu.memory_space<semaphore_mem>>) src(%dma_wait3A_38 : memref<128x256xf32, #tpu.memory_space<vmem>>) dst(%dma_wait3A_35 : memref<128x256xf32, #tpu.memory_space<hbm>>)
    return
  }
}

module attributes {stable_mosaic.version = 14 : i64} {
  func.func @_tc_body_a(%arg0: i32, %arg1: memref<1024x192xf32, #tpu.memory_space<vmem>>, %arg2: memref<192x64xf32, #tpu.memory_space<vmem>>, %arg3: memref<1x64xf32, #tpu.memory_space<vmem>>, %arg4: memref<1024x64xf32, #tpu.memory_space<vmem>>, %arg5: memref<64x192xf32, #tpu.memory_space<vmem>>, %arg6: memref<1x192xf32, #tpu.memory_space<vmem>>, %arg7: memref<1024x64xf32, #tpu.memory_space<vmem>>, %arg8: memref<1024xi32, #tpu.memory_space<vmem>>, %arg9: memref<1024x256xf32, #tpu.memory_space<vmem>>) attributes {dimension_semantics = [#tpu.dimension_semantics<arbitrary>], iteration_bounds = array<i64: 4>, scalar_prefetch = 0 : i64, scratch_operands = 0 : i64, tpu.core_type = #tpu.core_type<tc>, window_params = [{transform_indices = @transform_0, window_bounds = array<i64: 1024, 192>}, {pipeline_mode = #tpu.pipeline_mode<synchronous>, transform_indices = @transform_1, window_bounds = array<i64: 192, 64>}, {pipeline_mode = #tpu.pipeline_mode<synchronous>, transform_indices = @transform_2, window_bounds = array<i64: 1, 64>}, {pipeline_mode = #tpu.pipeline_mode<synchronous>, transform_indices = @transform_3, window_bounds = array<i64: 1024, 64>}, {pipeline_mode = #tpu.pipeline_mode<synchronous>, transform_indices = @transform_4, window_bounds = array<i64: 64, 192>}, {pipeline_mode = #tpu.pipeline_mode<synchronous>, transform_indices = @transform_5, window_bounds = array<i64: 1, 192>}, {transform_indices = @transform_6, window_bounds = array<i64: 1024, 64>}, {transform_indices = @transform_7, window_bounds = array<i64: 1024>}, {pipeline_mode = #tpu.pipeline_mode<synchronous>, transform_indices = @transform_8, window_bounds = array<i64: 1024, 256>}]} {
    %get3A = arith.constant 0 : index
    %get3A_0 = arith.constant 0 : index
    %get3A_1 = vector.load %arg4[%get3A, %get3A_0] : memref<1024x64xf32, #tpu.memory_space<vmem>>, vector<1024x64xf32>
    %eq3A = arith.constant 0 : i32
    %eq3A_2 = arith.cmpi eq, %arg0, %eq3A : i32
    %convert_element_type3A = arith.extui %eq3A_2 : i1 to i32
    %cond3A = arith.constant 0 : i32
    %cond3A_3 = arith.cmpi ne, %convert_element_type3A, %cond3A : i32
    scf.if %cond3A_3 {
      %get3A_33 = arith.constant 0 : index
      %get3A_34 = arith.constant 0 : index
      %get3A_35 = vector.load %arg5[%get3A_33, %get3A_34] : memref<64x192xf32, #tpu.memory_space<vmem>>, vector<64x192xf32>
      %dot_general3A_36 = arith.constant dense<0.000000e+00> : vector<1024x192xf32>
      %dot_general3A_37 = tpu.matmul %get3A_1, %get3A_35, %dot_general3A_36 {dimension_numbers = #tpu.dot_dimension_numbers<[1], [0], [0], [1], [0, 0, 1, 1], [], []>, transpose_lhs_hint = false} : vector<1024x64xf32>, vector<64x192xf32>, vector<1024x192xf32> -> vector<1024x192xf32>
      %get3A_38 = arith.constant 0 : index
      %get3A_39 = arith.constant 0 : index
      %get3A_40 = vector.load %arg6[%get3A_38, %get3A_39] : memref<1x192xf32, #tpu.memory_space<vmem>>, vector<1x192xf32>
      %add3A_41 = vector.broadcast %get3A_40 : vector<1x192xf32> to vector<1024x192xf32>
      %add3A_42 = arith.addf %dot_general3A_37, %add3A_41 : vector<1024x192xf32>
      %concatenate3A = tpu.concatenate %add3A_42, %get3A_1 in 1 : vector<1024x192xf32>, vector<1024x64xf32> -> vector<1024x256xf32>
      %swap3A_43 = arith.constant 0 : index
      %swap3A_44 = arith.constant 0 : index
      %swap3A_45 = vector.load %arg9[%swap3A_43, %swap3A_44] : memref<1024x256xf32, #tpu.memory_space<vmem>>, vector<1024x256xf32>
      tpu.vector_store %arg9[%swap3A_43, %swap3A_44], %concatenate3A {strides = array<i32>} : memref<1024x256xf32, #tpu.memory_space<vmem>>, vector<1024x256xf32>,
    } else {
    }
    %get3A_4 = arith.constant 0 : index
    %get3A_5 = arith.constant 0 : index
    %get3A_6 = vector.load %arg1[%get3A_4, %get3A_5] : memref<1024x192xf32, #tpu.memory_space<vmem>>, vector<1024x192xf32>
    %get3A_7 = arith.constant 0 : index
    %get3A_8 = arith.constant 0 : index
    %get3A_9 = vector.load %arg2[%get3A_7, %get3A_8] : memref<192x64xf32, #tpu.memory_space<vmem>>, vector<192x64xf32>
    %get3A_10 = arith.constant 0 : index
    %get3A_11 = arith.constant 0 : index
    %get3A_12 = vector.load %arg3[%get3A_10, %get3A_11] : memref<1x64xf32, #tpu.memory_space<vmem>>, vector<1x64xf32>
    %dot_general3A = arith.constant dense<0.000000e+00> : vector<1024x64xf32>
    %dot_general3A_13 = tpu.matmul %get3A_6, %get3A_9, %dot_general3A {dimension_numbers = #tpu.dot_dimension_numbers<[1], [0], [0], [1], [0, 0, 1, 1], [], []>, transpose_lhs_hint = false} : vector<1024x192xf32>, vector<192x64xf32>, vector<1024x64xf32> -> vector<1024x64xf32>
    %add3A = vector.broadcast %get3A_12 : vector<1x64xf32> to vector<1024x64xf32>
    %add3A_14 = arith.addf %dot_general3A_13, %add3A : vector<1024x64xf32>
    %dot_general3A_15 = arith.constant dense<0.000000e+00> : vector<1024x1024xf32>
    %dot_general3A_16 = tpu.matmul %add3A_14, %get3A_1, %dot_general3A_15 {dimension_numbers = #tpu.dot_dimension_numbers<[1], [1], [0], [0], [0, 0, 1, 0], [], []>, transpose_lhs_hint = false} : vector<1024x64xf32>, vector<1024x64xf32>, vector<1024x1024xf32> -> vector<1024x1024xf32>
    %mul3A = arith.mulf %add3A_14, %add3A_14 : vector<1024x64xf32>
    %reduce_sum3A = arith.constant dense<0.000000e+00> : vector<1024xf32>
    %reduce_sum3A_17 = vector.multi_reduction <add>, %mul3A, %reduce_sum3A [1] : vector<1024x64xf32> to vector<1024xf32>
    %broadcast_in_dim3A = vector.shape_cast %reduce_sum3A_17 : vector<1024xf32> to vector<1024x1xf32>
    %mul3A_18 = arith.mulf %get3A_1, %get3A_1 : vector<1024x64xf32>
    %reduce_sum3A_19 = arith.constant dense<0.000000e+00> : vector<1024xf32>
    %reduce_sum3A_20 = vector.multi_reduction <add>, %mul3A_18, %reduce_sum3A_19 [1] : vector<1024x64xf32> to vector<1024xf32>
    %broadcast_in_dim3A_21 = vector.shape_cast %reduce_sum3A_20 : vector<1024xf32> to vector<1x1024xf32>
    %mul3A_22 = arith.constant 2.000000e+00 : f32
    %mul3A_23 = vector.broadcast %mul3A_22 : f32 to vector<1024x1024xf32>
    %mul3A_24 = arith.mulf %mul3A_23, %dot_general3A_16 : vector<1024x1024xf32>
    %sub3A = vector.broadcast %broadcast_in_dim3A : vector<1024x1xf32> to vector<1024x1024xf32>
    %sub3A_25 = arith.subf %sub3A, %mul3A_24 : vector<1024x1024xf32>
    %add3A_26 = vector.broadcast %broadcast_in_dim3A_21 : vector<1x1024xf32> to vector<1024x1024xf32>
    %add3A_27 = arith.addf %sub3A_25, %add3A_26 : vector<1024x1024xf32>
    %jit3A = arith.constant 0.000000e+00 : f32
    %max3A = vector.broadcast %jit3A : f32 to vector<1024x1024xf32>
    %max3A_28 = arith.maximumf %max3A, %add3A_27 : vector<1024x1024xf32>
    %sqrt3A = math.sqrt %max3A_28 : vector<1024x1024xf32>
    %argmin3A = tpu.reduce_index %sqrt3A {axis = 1 : i32, kind = #tpu.reduction_kind<arg_min>} : vector<1024x1024xf32> -> vector<1024xi32>
    %swap3A = arith.constant 0 : index
    %swap3A_29 = arith.constant 0 : index
    %swap3A_30 = vector.load %arg7[%swap3A, %swap3A_29] : memref<1024x64xf32, #tpu.memory_space<vmem>>, vector<1024x64xf32>
    tpu.vector_store %arg7[%swap3A, %swap3A_29], %add3A_14 {strides = array<i32>} : memref<1024x64xf32, #tpu.memory_space<vmem>>, vector<1024x64xf32>,
    %swap3A_31 = arith.constant 0 : index
    %swap3A_32 = vector.load %arg8[%swap3A_31] : memref<1024xi32, #tpu.memory_space<vmem>>, vector<1024xi32>
    tpu.vector_store %arg8[%swap3A_31], %argmin3A {strides = array<i32>} : memref<1024xi32, #tpu.memory_space<vmem>>, vector<1024xi32>,
    return
  }
  func.func @transform_0(%arg0: i32) -> (i32, i32) {
    %c0_i32 = arith.constant 0 : i32
    %c0_i32_0 = arith.constant 0 : i32
    return %arg0, %c0_i32 : i32, i32
  }
  func.func @transform_1(%arg0: i32) -> (i32, i32) {
    %c0_i32 = arith.constant 0 : i32
    %c0_i32_0 = arith.constant 0 : i32
    %c0_i32_1 = arith.constant 0 : i32
    return %c0_i32, %c0_i32_0 : i32, i32
  }
  func.func @transform_2(%arg0: i32) -> (i32, i32) {
    %c0_i32 = arith.constant 0 : i32
    %c0_i32_0 = arith.constant 0 : i32
    %c0_i32_1 = arith.constant 0 : i32
    return %c0_i32, %c0_i32_0 : i32, i32
  }
  func.func @transform_3(%arg0: i32) -> (i32, i32) {
    %c0_i32 = arith.constant 0 : i32
    %c0_i32_0 = arith.constant 0 : i32
    %c0_i32_1 = arith.constant 0 : i32
    return %c0_i32, %c0_i32_0 : i32, i32
  }
  func.func @transform_4(%arg0: i32) -> (i32, i32) {
    %c0_i32 = arith.constant 0 : i32
    %c0_i32_0 = arith.constant 0 : i32
    %c0_i32_1 = arith.constant 0 : i32
    return %c0_i32, %c0_i32_0 : i32, i32
  }
  func.func @transform_5(%arg0: i32) -> (i32, i32) {
    %c0_i32 = arith.constant 0 : i32
    %c0_i32_0 = arith.constant 0 : i32
    %c0_i32_1 = arith.constant 0 : i32
    return %c0_i32, %c0_i32_0 : i32, i32
  }
  func.func @transform_6(%arg0: i32) -> (i32, i32) {
    %c0_i32 = arith.constant 0 : i32
    %c0_i32_0 = arith.constant 0 : i32
    return %arg0, %c0_i32 : i32, i32
  }
  func.func @transform_7(%arg0: i32) -> i32 {
    %c0_i32 = arith.constant 0 : i32
    return %arg0 : i32
  }
  func.func @transform_8(%arg0: i32) -> (i32, i32) {
    %c0_i32 = arith.constant 0 : i32
    %c0_i32_0 = arith.constant 0 : i32
    %c0_i32_1 = arith.constant 0 : i32
    return %c0_i32, %c0_i32_0 : i32, i32
  }
}

module attributes {stable_mosaic.version = 14 : i64} {
  func.func @_tc_body_b(%arg0: i32, %arg1: memref<1024x192xf32, #tpu.memory_space<vmem>>, %arg2: memref<192x64xf32, #tpu.memory_space<vmem>>, %arg3: memref<1x64xf32, #tpu.memory_space<vmem>>, %arg4: memref<1024x64xf32, #tpu.memory_space<vmem>>, %arg5: memref<1024x64xf32, #tpu.memory_space<vmem>>, %arg6: memref<1024xi32, #tpu.memory_space<vmem>>) attributes {dimension_semantics = [#tpu.dimension_semantics<arbitrary>], iteration_bounds = array<i64: 5>, scalar_prefetch = 0 : i64, scratch_operands = 0 : i64, tpu.core_type = #tpu.core_type<tc>, window_params = [{transform_indices = @transform_0, window_bounds = array<i64: 1024, 192>}, {pipeline_mode = #tpu.pipeline_mode<synchronous>, transform_indices = @transform_1, window_bounds = array<i64: 192, 64>}, {pipeline_mode = #tpu.pipeline_mode<synchronous>, transform_indices = @transform_2, window_bounds = array<i64: 1, 64>}, {pipeline_mode = #tpu.pipeline_mode<synchronous>, transform_indices = @transform_3, window_bounds = array<i64: 1024, 64>}, {transform_indices = @transform_4, window_bounds = array<i64: 1024, 64>}, {transform_indices = @transform_5, window_bounds = array<i64: 1024>}]} {
    %get3A = arith.constant 0 : index
    %get3A_0 = arith.constant 0 : index
    %get3A_1 = vector.load %arg1[%get3A, %get3A_0] : memref<1024x192xf32, #tpu.memory_space<vmem>>, vector<1024x192xf32>
    %get3A_2 = arith.constant 0 : index
    %get3A_3 = arith.constant 0 : index
    %get3A_4 = vector.load %arg2[%get3A_2, %get3A_3] : memref<192x64xf32, #tpu.memory_space<vmem>>, vector<192x64xf32>
    %get3A_5 = arith.constant 0 : index
    %get3A_6 = arith.constant 0 : index
    %get3A_7 = vector.load %arg3[%get3A_5, %get3A_6] : memref<1x64xf32, #tpu.memory_space<vmem>>, vector<1x64xf32>
    %get3A_8 = arith.constant 0 : index
    %get3A_9 = arith.constant 0 : index
    %get3A_10 = vector.load %arg4[%get3A_8, %get3A_9] : memref<1024x64xf32, #tpu.memory_space<vmem>>, vector<1024x64xf32>
    %dot_general3A = arith.constant dense<0.000000e+00> : vector<1024x64xf32>
    %dot_general3A_11 = tpu.matmul %get3A_1, %get3A_4, %dot_general3A {dimension_numbers = #tpu.dot_dimension_numbers<[1], [0], [0], [1], [0, 0, 1, 1], [], []>, transpose_lhs_hint = false} : vector<1024x192xf32>, vector<192x64xf32>, vector<1024x64xf32> -> vector<1024x64xf32>
    %add3A = vector.broadcast %get3A_7 : vector<1x64xf32> to vector<1024x64xf32>
    %add3A_12 = arith.addf %dot_general3A_11, %add3A : vector<1024x64xf32>
    %dot_general3A_13 = arith.constant dense<0.000000e+00> : vector<1024x1024xf32>
    %dot_general3A_14 = tpu.matmul %add3A_12, %get3A_10, %dot_general3A_13 {dimension_numbers = #tpu.dot_dimension_numbers<[1], [1], [0], [0], [0, 0, 1, 0], [], []>, transpose_lhs_hint = false} : vector<1024x64xf32>, vector<1024x64xf32>, vector<1024x1024xf32> -> vector<1024x1024xf32>
    %mul3A = arith.mulf %add3A_12, %add3A_12 : vector<1024x64xf32>
    %reduce_sum3A = arith.constant dense<0.000000e+00> : vector<1024xf32>
    %reduce_sum3A_15 = vector.multi_reduction <add>, %mul3A, %reduce_sum3A [1] : vector<1024x64xf32> to vector<1024xf32>
    %broadcast_in_dim3A = vector.shape_cast %reduce_sum3A_15 : vector<1024xf32> to vector<1024x1xf32>
    %mul3A_16 = arith.mulf %get3A_10, %get3A_10 : vector<1024x64xf32>
    %reduce_sum3A_17 = arith.constant dense<0.000000e+00> : vector<1024xf32>
    %reduce_sum3A_18 = vector.multi_reduction <add>, %mul3A_16, %reduce_sum3A_17 [1] : vector<1024x64xf32> to vector<1024xf32>
    %broadcast_in_dim3A_19 = vector.shape_cast %reduce_sum3A_18 : vector<1024xf32> to vector<1x1024xf32>
    %mul3A_20 = arith.constant 2.000000e+00 : f32
    %mul3A_21 = vector.broadcast %mul3A_20 : f32 to vector<1024x1024xf32>
    %mul3A_22 = arith.mulf %mul3A_21, %dot_general3A_14 : vector<1024x1024xf32>
    %sub3A = vector.broadcast %broadcast_in_dim3A : vector<1024x1xf32> to vector<1024x1024xf32>
    %sub3A_23 = arith.subf %sub3A, %mul3A_22 : vector<1024x1024xf32>
    %add3A_24 = vector.broadcast %broadcast_in_dim3A_19 : vector<1x1024xf32> to vector<1024x1024xf32>
    %add3A_25 = arith.addf %sub3A_23, %add3A_24 : vector<1024x1024xf32>
    %jit3A = arith.constant 0.000000e+00 : f32
    %max3A = vector.broadcast %jit3A : f32 to vector<1024x1024xf32>
    %max3A_26 = arith.maximumf %max3A, %add3A_25 : vector<1024x1024xf32>
    %sqrt3A = math.sqrt %max3A_26 : vector<1024x1024xf32>
    %argmin3A = tpu.reduce_index %sqrt3A {axis = 1 : i32, kind = #tpu.reduction_kind<arg_min>} : vector<1024x1024xf32> -> vector<1024xi32>
    %swap3A = arith.constant 0 : index
    %swap3A_27 = arith.constant 0 : index
    %swap3A_28 = vector.load %arg5[%swap3A, %swap3A_27] : memref<1024x64xf32, #tpu.memory_space<vmem>>, vector<1024x64xf32>
    tpu.vector_store %arg5[%swap3A, %swap3A_27], %add3A_12 {strides = array<i32>} : memref<1024x64xf32, #tpu.memory_space<vmem>>, vector<1024x64xf32>,
    %swap3A_29 = arith.constant 0 : index
    %swap3A_30 = vector.load %arg6[%swap3A_29] : memref<1024xi32, #tpu.memory_space<vmem>>, vector<1024xi32>
    tpu.vector_store %arg6[%swap3A_29], %argmin3A {strides = array<i32>} : memref<1024xi32, #tpu.memory_space<vmem>>, vector<1024xi32>,
    return
  }
  func.func @transform_0(%arg0: i32) -> (i32, i32) {
    %add3A = arith.constant 4 : i32
    %add3A_0 = arith.addi %arg0, %add3A : i32
    %c0_i32 = arith.constant 0 : i32
    %c0_i32_1 = arith.constant 0 : i32
    return %add3A_0, %c0_i32 : i32, i32
  }
  func.func @transform_1(%arg0: i32) -> (i32, i32) {
    %c0_i32 = arith.constant 0 : i32
    %c0_i32_0 = arith.constant 0 : i32
    %c0_i32_1 = arith.constant 0 : i32
    return %c0_i32, %c0_i32_0 : i32, i32
  }
  func.func @transform_2(%arg0: i32) -> (i32, i32) {
    %c0_i32 = arith.constant 0 : i32
    %c0_i32_0 = arith.constant 0 : i32
    %c0_i32_1 = arith.constant 0 : i32
    return %c0_i32, %c0_i32_0 : i32, i32
  }
  func.func @transform_3(%arg0: i32) -> (i32, i32) {
    %c0_i32 = arith.constant 0 : i32
    %c0_i32_0 = arith.constant 0 : i32
    %c0_i32_1 = arith.constant 0 : i32
    return %c0_i32, %c0_i32_0 : i32, i32
  }
  func.func @transform_4(%arg0: i32) -> (i32, i32) {
    %c0_i32 = arith.constant 0 : i32
    %c0_i32_0 = arith.constant 0 : i32
    return %arg0, %c0_i32 : i32, i32
  }
  func.func @transform_5(%arg0: i32) -> i32 {
    %c0_i32 = arith.constant 0 : i32
    return %arg0 : i32
  }
}

</mosaic_0001>

<sc_bundles>
// kernel: kernel.6.cloned.1.call-start
scs
__scs_entry_jumppad:
0x0: {  	(pc) =	sbr.rel $0x88, $3  }
0x1: {  	(tag) =	ssettag $0x0;
	lr =	simm.s32 $0x1  }
0x2: {  	[smem:$0x3F9B] =	sst lr;
	_ =	strace $0xD0000000  }
0x3: {  	_ = 	snop  }
0x4: {  	_ = 	snop  }
0x5: {  	_ = 	snop  }
0x6: {  	_ = 	snop  }
0x7: {  	_ = 	snop  }
__scs_overlays_trampoline_lowered:
0x8: {  	[smem:$0x3FAA] =	sst s0  }
0x9: {  	[smem:$0x3FAB] =	sst s1  }
0xa: {  	[smem:$0x3FAC] =	sst s2  }
0xb: {  	[smem:$0x3FAD] =	sst s3  }
0xc: {  	[smem:$0x3FAE] =	sst s4  }
0xd: {  	[smem:$0x3FAF] =	sst s5  }
0xe: {  	[smem:$0x3FB0] =	sst s6  }
0xf: {  	[smem:$0x3FB1] =	sst s7  }
0x10: {  	[smem:$0x3FB2] =	sst s8  }
0x11: {  	[smem:$0x3FB3] =	sst s9;
	s0 =	simm.s32 @!p0 $0x0  }
0x12: {  	s1 =	sld [smem:$0x3F99];
	s0 =	simm.s32 @p0 $0x1  }
0x13: {  	[smem:$0x3FB4] =	sst s0;
	s0 =	simm.s32 @!p1 $0x0  }
0x14: {  	s2 =	sld [smem:$0x3F98];
	s0 =	simm.s32 @p1 $0x1  }
0x15: {  	[smem:$0x3FB5] =	sst s0;
	s0 =	simm.s32 @!p2 $0x0  }
0x16: {  	s3 =	sld [smem:$0x3FDB];
	s0 =	simm.s32 @p2 $0x1  }
0x17: {  	s4 =	simm.s32 $0x1BF5;
	[smem:$0x3FB7] =	sst s0  }
0x18: {  	s0 =	sld [smem:$0x3F9A];
	_ =	swait.ge [sflag:s4], $0x0  }
0x19: {  	s7 =	sld [smem:$0x3F9B]  }
0x1a: {  	s8 =	sadd.s32 $0xFFFFE003, lr  }
0x1b: {  	s9 =	sadd.s32 $0xFFFFFEF7, lr;
	s5 =	simm.s32 $0xFFFFFFFF;
	p2 =	slt.u32 s8, $0xFFFFF086  }
0x1c: {  	p1 =	slt.u32 s9, $0xF7A;
	s5 =	simm.s32 @!p2 $0x0  }
0x1d: {  	s5 =	simm.s32 @p1 $0x1;
	p0 =	seq.s32 s7, s2  }
0x1e: {  	s7 =	smul.u32 @!p0 $0xF7A, s2;
	p2 =	seq.s32 @!p0 s5, $0x0  }
0x1f: {  	s9 =	smul.u32 $0xF7A, s1;
	s8 =	simm.s32 @!p0 $0x1BF5;
	p2 =	por !p2, p0  }
0x20: {  	[sflag:s8] =	ssyncset.s32 @!p0 $0xFFFFF086;
	s6 =	sadd.s32 @!p0 s3, s7;
	s7 =	simm.s32 @!p0 $0x108  }
0x21: {  	s3 =	sadd.s32 s3, s9;
	s6 =	sadd.s32 @!p0 $0x88, s6;
	s7 =	simm.s32 @p2 $0x1082  }
0x22: {  	[simem:s7], [sflag:s8] =	dma.local @!p0 [hbm:s6], $0xF7A  }
0x23: {  	s9 =	sor.u32 $0xD0000000, s2;
	s6 =	simm.s32 $0x108;
	_ =	swait.ge @!p0 [sflag:s8], $0x0  }
0x24: {  	s3 =	sadd.s32 $0x88, s3;
	s6 =	simm.s32 @!p1 $0x1082;
	[sflag:s4] =	ssyncset.s32 $0xFFFFF086  }
0x25: {  	[simem:s6], [sflag:s4] =	dma.local [hbm:s3], $0xF7A  }
0x26: {  	[smem:$0x3F9B] =	sst s1;
	(tag) =	ssettag s2;
	_ =	strace s9  }
0x27: {  	s1 =	sld [smem:$0x3FAB]  }
0x28: {  	s2 =	sld [smem:$0x3FAC]  }
0x29: {  	s4 =	sld [smem:$0x3FAE]  }
0x2a: {  	p0 =	seq.s32 s5, $0x0;
	s5 =	sld [smem:$0x3FAF]  }
0x2b: {  	s6 =	sld [smem:$0x3FB0]  }
0x2c: {  	s7 =	sld [smem:$0x3FB1]  }
0x2d: {  	s3 =	simm.s32 $0x108;
	s8 =	sld [smem:$0x3FB2]  }
0x2e: {  	s3 =	simm.s32 @!p0 $0x1082;
	s9 =	sld [smem:$0x3FB3]  }
0x2f: {  	lr =	sadd.s32 s0, s3;
	s0 =	sld [smem:$0x3FAA]  }
0x30: {  	s3 =	sld [smem:$0x3FAD]  }
0x31: {  	[smem:$0x3FB6] =	sst s10  }
0x32: {  	s10 =	sld [smem:$0x3FB4];
	_ =	sdelay $0x3  }
0x33: {  	p0 =	seq.s32 s10, $0x1;
	s10 =	sld [smem:$0x3FB6];
	_ =	sdelay $0x3  }
0x34: {  	[smem:$0x3FB6] =	sst s10  }
0x35: {  	s10 =	sld [smem:$0x3FB5];
	_ =	sdelay $0x3  }
0x36: {  	p1 =	seq.s32 s10, $0x1;
	s10 =	sld [smem:$0x3FB6];
	_ =	sdelay $0x3  }
0x37: {  	[smem:$0x3FB6] =	sst s10  }
0x38: {  	s10 =	sld [smem:$0x3FB7]  }
0x39: {  	_ = 	snop;
	(pc) =	sbr.ind lr, $3  }
0x3a: {  	_ = 	snop  }
0x3b: {  	_ = 	snop  }
0x3c: {  	p2 =	seq.s32 s10, $0x1;
	s10 =	sld [smem:$0x3FB6]  }
0x3d: {  	_ =	shalt  }
0x3e: {  	_ =	shalt  }
0x3f: {  	_ =	shalt  }
0x40: {  	_ =	shalt  }
0x41: {  	_ =	shalt  }
0x42: {  	_ =	shalt  }
0x43: {  	_ =	shalt  }
0x44: {  	_ =	shalt  }
0x45: {  	_ =	shalt  }
0x46: {  	_ =	shalt  }
0x47: {  	_ =	shalt  }
0x48: {  	_ =	shalt  }
0x49: {  	_ =	shalt  }
0x4a: {  	_ =	shalt  }
0x4b: {  	_ =	shalt  }
0x4c: {  	_ =	shalt  }
0x4d: {  	_ =	shalt  }
0x4e: {  	_ =	shalt  }
0x4f: {  	_ =	shalt  }
0x50: {  	_ =	shalt  }
0x51: {  	_ =	shalt  }
0x52: {  	_ =	shalt  }
0x53: {  	_ =	shalt  }
0x54: {  	_ =	shalt  }
0x55: {  	_ =	shalt  }
0x56: {  	_ =	shalt  }
0x57: {  	_ =	shalt  }
0x58: {  	_ =	shalt  }
0x59: {  	_ =	shalt  }
0x5a: {  	_ =	shalt  }
0x5b: {  	_ =	shalt  }
0x5c: {  	_ =	shalt  }
0x5d: {  	_ =	shalt  }
0x5e: {  	_ =	shalt  }
0x5f: {  	_ =	shalt  }
0x60: {  	_ =	shalt  }
0x61: {  	_ =	shalt  }
0x62: {  	_ =	shalt  }
0x63: {  	_ =	shalt  }
0x64: {  	_ =	shalt  }
0x65: {  	_ =	shalt  }
0x66: {  	_ =	shalt  }
0x67: {  	_ =	shalt  }
0x68: {  	_ =	shalt  }
0x69: {  	_ =	shalt  }
0x6a: {  	_ =	shalt  }
0x6b: {  	_ =	shalt  }
0x6c: {  	_ =	shalt  }
0x6d: {  	_ =	shalt  }
0x6e: {  	_ =	shalt  }
0x6f: {  	_ =	shalt  }
0x70: {  	_ =	shalt  }
0x71: {  	_ =	shalt  }
0x72: {  	_ =	shalt  }
0x73: {  	_ =	shalt  }
0x74: {  	_ =	shalt  }
0x75: {  	_ =	shalt  }
0x76: {  	_ =	shalt  }
0x77: {  	_ =	shalt  }
0x78: {  	_ =	shalt  }
0x79: {  	_ =	shalt  }
0x7a: {  	_ =	shalt  }
0x7b: {  	_ =	shalt  }
0x7c: {  	_ =	shalt  }
0x7d: {  	_ =	shalt  }
0x7e: {  	_ =	shalt  }
0x7f: {  	_ =	shalt  }
0x80: {  	_ =	shalt  }
0x81: {  	_ =	shalt  }
0x82: {  	_ =	shalt  }
0x83: {  	_ =	shalt  }
0x84: {  	_ =	shalt  }
0x85: {  	_ =	shalt  }
0x86: {  	_ =	shalt  }
0x87: {  	_ =	shalt  }
.Lfunc_end0:
.L_simem_size_0:
called_computation_lowered:
.L_overlay_start_0:
0x88: {  	s2 =	sld [smem:$0x3FD9]  }
0x89: {  	s3 =	sld [smem:$0x3FFE];
	_ =	sdelay $0x1  }
0x8a: {  	s1 =	srdreg.scid  }
0x8b: {  	s0 =	sand.u32 $0x1, s1  }
0x8c: {  	s14 =	sshll.u32 s0, $0xA;
	s2 =	sadd.s32 s3, s2  }
0x8d: {  	s2 =	sadd.s32 s2, s14  }
0x8e: {  	[smem:$0x3FC2] =	sst s2  }
0x8f: {  	_ = 	snop  }
0x90: {  	s2 =	sld [smem:$0x3FD0];
	_ =	sdelay $0x2  }
0x91: {  	s15 =	simm.s32 $0xB;
	s4 =	simm.s32 $0x10  }
0x92: {  	[smem:s4], [sflag:s15] =	dma.local [hbm:s2], $0x1  }
0x93: {  	_ =	swait.eq [sflag:s15], $0x1  }
0x94: {  	[sflag:s15] =	ssyncset.done $0x0  }
0x95: {  	[sflag:s15] =	ssyncadd.s32 $0xFFFFFFFF  }
0x96: {  	s16 =	sld [smem:$0x12];
	(tm) =	ssettm $0x1  }
0x97: {  	s17 =	sld [smem:$0x3FFB];
	_ =	sdelay $0x3  }
0x98: {  	_ =	strace s17  }
0x99: {  	s3 =	sld [smem:$0x3FFC];
	_ =	sdelay $0x3  }
0x9a: {  	_ =	strace s3  }
0x9b: {  	s3 =	sld [smem:$0x3FFD];
	_ =	sdelay $0x3  }
0x9c: {  	_ =	strace s3  }
0x9d: {  	_ =	strace $0x8FFFFFFF  }
0x9e: {  	s18 =	sld [smem:$0x3FDB];
	_ =	sdelay $0x1  }
0x9f: {  	s19 =	simm.s32 $_scs_section_size  }
0xa0: {  	s5 =	simm.s32 $_size__tile_overlayer_lowered;
	s6 =	simm.s32 $_tile_overlayer_lowered  }
0xa1: {  	s22 =	simm.s32 $0x1BFF;
	s21 =	sshll.u32 s6, $0x1;
	s3 =	sadd.s32 s19, s18  }
0xa2: {  	s7 =	simm.s32 $0x0;
	s20 =	sshll.u32 s5, $0x1;
	s5 =	sadd.s32 s21, s3  }
0xa3: {  	[timem:s7], [sflag:s22] =	dma.local [hbm:s5], s20  }
0xa4: {  	_ =	swait.ge [sflag:s22], s20  }
0xa5: {  	s4 =	ssub.s32 $0x0, s20;
	[sflag:s22] =	ssyncset.done $0x0  }
0xa6: {  	[sflag:s22] =	ssyncadd.s32 s4;
	_ =	sdelay $0x1  }
0xa7: {  	s23 =	simm.s32 $0x1B8B  }
0xa8: {  	_ =	swait.ge [sflag:s23], $0x1  }
0xa9: {  	[sflag:s23] =	ssyncset.done $0x0  }
0xaa: {  	s25 =	simm.s32 $0x1B8E;
	s24 =	sld [smem:$0x3FFE];
	[sflag:s23] =	ssyncadd.s32 $0xFFFFFFFF  }
0xab: {  	s26 =	simm.s32 $execute0_lowered;
	[smem:$0x3FD2] =	sst s25  }
0xac: {  	s5 =	sshll.u32 s26, $0x1;
	_ =	strace $0x80000046;
	[dreg:$0x1] =	wrdreg $0xFFFFFFFF  }
0xad: {  	s28 =	simm.s32 $_size_execute0_lowered;
	s3 =	sadd.s32 s3, s5;
	[dreg:$0x0] =	wrdreg $0x0  }
0xae: {  	s5 =	sshll.u32 s28, $0x1;
	[dreg:$0x2] =	wrdreg s3  }
0xaf: {  	[dreg:$0x3] =	wrdreg s5  }
0xb0: {  	[dreg:$0x4] =	wrdreg $0xC0  }
0xb1: {  	_ =	task [dreg:s7], $0x5FFFF  }
0xb2: {  	[dreg:$0x1] =	wrdreg $0xFFFFFFFF  }
0xb3: {  	[dreg:$0x0] =	wrdreg $0x60  }
0xb4: {  	[dreg:$0x2] =	wrdreg s16  }
0xb5: {  	[dreg:$0x3] =	wrdreg s24  }
0xb6: {  	[dreg:$0x4] =	wrdreg $0x9  }
0xb7: {  	_ =	task.clear_ibuf [dreg:s7], $0x5FFFF;
	_ =	strace $0x90000046  }
0xb8: {  	s29 =	simm.s32 $0x9;
	_ =	strace $0x80000048  }
0xb9: {  	_ =	swait.ge [sflag:s29], $0x1  }
0xba: {  	[sflag:s29] =	ssyncadd.s32 $0xFFFFFFFF  }
0xbb: {  	_ =	strace $0x90000048  }
0xbc: {  	_ =	sfence  }
0xbd: {  	s30 =	sld [smem:$0x0];
	_ =	sdelay $0x2  }
0xbe: {  	s31 =	sshll.u32 s1, $0xD;
	s1 =	sshrl.u32 s1, $0x2  }
0xbf: {  	s3 =	sand.u32 $0x4000, s31;
	s1 =	sadd.s32 s1, s30  }
0xc0: {  	s0 =	sor.u32 s3, s0;
	s1 =	sshll.u32 s1, $0x11  }
0xc1: {  	s0 =	sor.u32 s1, s0  }
0xc2: {  	s0 =	sadd.s32 $0x8F2B, s0  }
0xc3: {  	[sflag:s0] =	ssyncadd.remote.s32 $0x1  }
0xc4: {  	_ =	sfence.sel $0xFFFF  }
0xc5: {  	[dreg:$0x0] =	wrdreg $0xFFFFFFFF;
	(pc) =	sbr.abs _section_cstart, $3  }
0xc6: {  	[dreg:$0x1] =	wrdreg $0xFFFFFFFF  }
0xc7: {  	_ =	task.clear_ibuf [dreg:s7], $0x2FFFF;
	_ =	strace $0x9FFFFFFF  }
0xc8: {  	(tm) =	ssettm $0x7FFFFFFF  }
0xc9: {  	_ =	shalt  }
tec
execute0_lowered:
.L_overlay_start_1:
0x0: {  	(tag) =	ssettag $0x1  }
0x1: {  	s2 =	rddreg [dreg:$0x0]  }
0x2: {  	s4 =	rddreg [dreg:$0x1];
	s3 =	srdreg.scid  }
0x3: {  	s0 =	rddreg [dreg:$0x2];
	s1 =	stileid.u32  }
0x4: {  	s9 =	simm.s32 $0x880;
	s10 =	simm.s32 $0x1080;
	s11 =	simm.s32 $0x1880  }
0x5: {  	s12 =	simm.s32 $0x2080;
	s13 =	simm.s32 $0x2880;
	s14 =	simm.s32 $0x3080  }
0x6: {  	s15 =	simm.s32 $0x3880;
	s16 =	simm.s32 $0x4080;
	s17 =	simm.s32 $0x4880  }
0x7: {  	s18 =	simm.s32 $0x5080;
	s19 =	simm.s32 $0x5880;
	s20 =	simm.s32 $0x6080  }
0x8: {  	s21 =	simm.s32 $0x6880;
	s22 =	simm.s32 $0x7080;
	s23 =	simm.s32 $0x7880  }
0x9: {  	s24 =	simm.s32 $0x1;
	s25 =	simm.s32 $0x2;
	s5 =	sand.u32 $0x1, s3  }
0xa: {  	s3 =	simm.s32 $0x0;
	s6 =	sshll.u32 s1, $0x8;
	s7 =	sshll.u32 s5, $0x7  }
0xb: {  	[smem:$0x7FF] =	sst s3;
	s5 =	ssub.s32 $0x2, s5;
	s6 =	sor.u32 s7, s6  }
0xc: {  	_ =	strace $0x80000047;
	s7 =	sshrl.u32 s6, $0x3;
	s6 =	sshll.u32 s6, $0x5  }
0xd: {  	v2 =	vlaneseq.u32;
	s8 =	sshrl.u32 s5, $0x1;
	s7 =	sadd.s32 s7, s4;
	s6 =	sadd.s32 s6, s4  }
0xe: {  	vm0 =	vmmov $0xffff;
	v1 =	vshrl.u32 v2, $0x3;
	s8 =	ssub.s32 s5, s8;
	s4 =	sadd.s32 $0x2600, s7;
	s5 =	sadd.s32 $0x2800, s6  }
0xf: {  	v0 =	vand.u32 $0x7, v2;
	v2 =	vor.u32 $0x8, v2;
	v1 =	vmul.u32 $0x8, v1;
	s6 =	smax.u32 s8, $0x1;
	s7 =	simm.s32 $0x3;
	s8 =	simm.s32 $0x80  }
.LBB2_1:
0x10: {  	[tilespmem:s3], [sflag:$0x3] =	stream.linear.gather [hbm4b:s4+s3], $0x80, $0x38;
	[tilespmem:$0x8080] =	vst v63  }
0x11: {  	_ =	swait.ge [sflag:s7], $0x80  }
0x12: {  	[sflag:s7] =	ssyncset.done $0x0  }
0x13: {  	[sflag:s7] =	ssyncadd.s32 $0xFFFFFF80  }
0x14: {  	v3 =	vld [tilespmem:$0x0];
	_ =	sdelay $0x4  }
0x15: {  	v4 =	vshll.u32 v3, $0x1  }
0x16: {  	v3 =	vand.u32 $0x7, v3;
	v4 =	vand.u32 $0xFFFFFFF0, v4  }
0x17: {  	v3 =	vor.u32 v3, v4  }
0x18: {  	v4 =	vperm.xlane v3, v0;
	_ =	sdelay $0x1  }
0x19: {  	v3 =	vperm.xlane v3, v2;
	v4 =	vadd.s32 v1, v4;
	_ =	sdelay $0x1  }
0x1a: {  	v3 =	vadd.s32 v1, v3;
	_ =	sdelay $0x2  }
0x1b: {  	[tilespmem:s8], [sflag:$0x1] =	stream.indirect_vreg.gather [hbm4b:s2+s3], $0x80, v4, vm0, $0xb8;
	[tilespmem:$0x8080] =	vst v63  }
0x1c: {  	_ = 	snop  }
0x1d: {  	[tilespmem:s9], [sflag:$0x1] =	stream.indirect_vreg.gather [hbm4b:s2+s3], $0x80, v3, vm0, $0xb8;
	[tilespmem:$0x8080] =	vst v63  }
0x1e: {  	v3 =	vld [tilespmem:$0x10];
	_ =	sdelay $0x4  }
0x1f: {  	v57 =	vshll.u32 v3, $0x1  }
0x20: {  	v3 =	vand.u32 $0x7, v3;
	v4 =	vand.u32 $0xFFFFFFF0, v57  }
0x21: {  	v3 =	vor.u32 v3, v4  }
0x22: {  	v4 =	vperm.xlane v3, v0;
	_ =	sdelay $0x1  }
0x23: {  	v3 =	vperm.xlane v3, v2;
	v4 =	vadd.s32 v1, v4;
	_ =	sdelay $0x1  }
0x24: {  	v3 =	vadd.s32 v1, v3;
	_ =	sdelay $0x2  }
0x25: {  	[tilespmem:s10], [sflag:$0x1] =	stream.indirect_vreg.gather [hbm4b:s2+s3], $0x80, v4, vm0, $0xb8;
	[tilespmem:$0x8080] =	vst v63  }
0x26: {  	_ = 	snop  }
0x27: {  	[tilespmem:s11], [sflag:$0x1] =	stream.indirect_vreg.gather [hbm4b:s2+s3], $0x80, v3, vm0, $0xb8;
	[tilespmem:$0x8080] =	vst v63  }
0x28: {  	v3 =	vld [tilespmem:$0x20];
	_ =	sdelay $0x4  }
0x29: {  	v58 =	vshll.u32 v3, $0x1  }
0x2a: {  	v3 =	vand.u32 $0x7, v3;
	v4 =	vand.u32 $0xFFFFFFF0, v58  }
0x2b: {  	v3 =	vor.u32 v3, v4  }
0x2c: {  	v4 =	vperm.xlane v3, v0;
	_ =	sdelay $0x1  }
0x2d: {  	v3 =	vperm.xlane v3, v2;
	v4 =	vadd.s32 v1, v4;
	_ =	sdelay $0x1  }
0x2e: {  	v3 =	vadd.s32 v1, v3;
	_ =	sdelay $0x2  }
0x2f: {  	[tilespmem:s12], [sflag:$0x1] =	stream.indirect_vreg.gather [hbm4b:s2+s3], $0x80, v4, vm0, $0xb8;
	[tilespmem:$0x8080] =	vst v63  }
0x30: {  	_ = 	snop  }
0x31: {  	[tilespmem:s13], [sflag:$0x1] =	stream.indirect_vreg.gather [hbm4b:s2+s3], $0x80, v3, vm0, $0xb8;
	[tilespmem:$0x8080] =	vst v63  }
0x32: {  	v3 =	vld [tilespmem:$0x30];
	_ =	sdelay $0x4  }
0x33: {  	v59 =	vshll.u32 v3, $0x1  }
0x34: {  	v3 =	vand.u32 $0x7, v3;
	v4 =	vand.u32 $0xFFFFFFF0, v59  }
0x35: {  	v3 =	vor.u32 v3, v4  }
0x36: {  	v4 =	vperm.xlane v3, v0;
	_ =	sdelay $0x1  }
0x37: {  	v3 =	vperm.xlane v3, v2;
	v4 =	vadd.s32 v1, v4;
	_ =	sdelay $0x1  }
0x38: {  	v3 =	vadd.s32 v1, v3;
	_ =	sdelay $0x2  }
0x39: {  	[tilespmem:s14], [sflag:$0x1] =	stream.indirect_vreg.gather [hbm4b:s2+s3], $0x80, v4, vm0, $0xb8;
	[tilespmem:$0x8080] =	vst v63  }
0x3a: {  	_ = 	snop  }
0x3b: {  	[tilespmem:s15], [sflag:$0x1] =	stream.indirect_vreg.gather [hbm4b:s2+s3], $0x80, v3, vm0, $0xb8;
	[tilespmem:$0x8080] =	vst v63  }
0x3c: {  	v3 =	vld [tilespmem:$0x40];
	_ =	sdelay $0x4  }
0x3d: {  	v60 =	vshll.u32 v3, $0x1  }
0x3e: {  	v3 =	vand.u32 $0x7, v3;
	v4 =	vand.u32 $0xFFFFFFF0, v60  }
0x3f: {  	v3 =	vor.u32 v3, v4  }
0x40: {  	v4 =	vperm.xlane v3, v0;
	_ =	sdelay $0x1  }
0x41: {  	v3 =	vperm.xlane v3, v2;
	v4 =	vadd.s32 v1, v4;
	_ =	sdelay $0x1  }
0x42: {  	v3 =	vadd.s32 v1, v3;
	_ =	sdelay $0x2  }
0x43: {  	[tilespmem:s16], [sflag:$0x1] =	stream.indirect_vreg.gather [hbm4b:s2+s3], $0x80, v4, vm0, $0xb8;
	[tilespmem:$0x8080] =	vst v63  }
0x44: {  	_ = 	snop  }
0x45: {  	[tilespmem:s17], [sflag:$0x1] =	stream.indirect_vreg.gather [hbm4b:s2+s3], $0x80, v3, vm0, $0xb8;
	[tilespmem:$0x8080] =	vst v63  }
0x46: {  	v3 =	vld [tilespmem:$0x50];
	_ =	sdelay $0x4  }
0x47: {  	v61 =	vshll.u32 v3, $0x1  }
0x48: {  	v3 =	vand.u32 $0x7, v3;
	v4 =	vand.u32 $0xFFFFFFF0, v61  }
0x49: {  	v3 =	vor.u32 v3, v4  }
0x4a: {  	v4 =	vperm.xlane v3, v0;
	_ =	sdelay $0x1  }
0x4b: {  	v3 =	vperm.xlane v3, v2;
	v4 =	vadd.s32 v1, v4;
	_ =	sdelay $0x1  }
0x4c: {  	v3 =	vadd.s32 v1, v3;
	_ =	sdelay $0x2  }
0x4d: {  	[tilespmem:s18], [sflag:$0x1] =	stream.indirect_vreg.gather [hbm4b:s2+s3], $0x80, v4, vm0, $0xb8;
	[tilespmem:$0x8080] =	vst v63  }
0x4e: {  	_ = 	snop  }
0x4f: {  	[tilespmem:s19], [sflag:$0x1] =	stream.indirect_vreg.gather [hbm4b:s2+s3], $0x80, v3, vm0, $0xb8;
	[tilespmem:$0x8080] =	vst v63  }
0x50: {  	v3 =	vld [tilespmem:$0x60];
	_ =	sdelay $0x4  }
0x51: {  	v62 =	vshll.u32 v3, $0x1  }
0x52: {  	v3 =	vand.u32 $0x7, v3;
	v4 =	vand.u32 $0xFFFFFFF0, v62  }
0x53: {  	v3 =	vor.u32 v3, v4  }
0x54: {  	v4 =	vperm.xlane v3, v0;
	_ =	sdelay $0x1  }
0x55: {  	v3 =	vperm.xlane v3, v2;
	v4 =	vadd.s32 v1, v4;
	_ =	sdelay $0x1  }
0x56: {  	v3 =	vadd.s32 v1, v3;
	_ =	sdelay $0x2  }
0x57: {  	[tilespmem:s20], [sflag:$0x1] =	stream.indirect_vreg.gather [hbm4b:s2+s3], $0x80, v4, vm0, $0xb8;
	[tilespmem:$0x8080] =	vst v63  }
0x58: {  	_ = 	snop  }
0x59: {  	[tilespmem:s21], [sflag:$0x1] =	stream.indirect_vreg.gather [hbm4b:s2+s3], $0x80, v3, vm0, $0xb8;
	[tilespmem:$0x8080] =	vst v63  }
0x5a: {  	v3 =	vld [tilespmem:$0x70];
	_ =	sdelay $0x4  }
0x5b: {  	v63 =	vshll.u32 v3, $0x1  }
0x5c: {  	v3 =	vand.u32 $0x7, v3;
	v4 =	vand.u32 $0xFFFFFFF0, v63  }
0x5d: {  	v3 =	vor.u32 v3, v4  }
0x5e: {  	v4 =	vperm.xlane v3, v0;
	_ =	sdelay $0x1  }
0x5f: {  	v3 =	vperm.xlane v3, v2;
	v4 =	vadd.s32 v1, v4;
	_ =	sdelay $0x1  }
0x60: {  	v3 =	vadd.s32 v1, v3;
	_ =	sdelay $0x2  }
0x61: {  	[tilespmem:s22], [sflag:$0x1] =	stream.indirect_vreg.gather [hbm4b:s2+s3], $0x80, v4, vm0, $0xb8;
	[tilespmem:$0x8080] =	vst v63  }
0x62: {  	_ = 	snop  }
0x63: {  	[tilespmem:s23], [sflag:$0x1] =	stream.indirect_vreg.gather [hbm4b:s2+s3], $0x80, v3, vm0, $0xb8;
	[tilespmem:$0x8080] =	vst v63  }
0x64: {  	_ =	swait.ge [sflag:s24], $0x8000  }
0x65: {  	p0 =	sne.s32 s6, $0x1;
	[sflag:s24] =	ssyncset.done $0x0  }
.Ltmp0:
0x66: {  	[sflag:s24] =	ssyncadd.s32 $0xFFFF8000;
	(pc) =	sbr.rel @p0 .LBB2_1-.Ltmp0, $4  }
0x67: {  	[hbm4b:s5+s3] =	stream.linear.scatter [tilespmem:s8], [sflag:$0x2], $0x8000, $0x38;
	[tilespmem:$0x8080] =	vst v63  }
0x68: {  	_ =	swait.ge [sflag:s25], $0x8000  }
0x69: {  	[sflag:s25] =	ssyncset.done $0x0  }
0x6a: {  	s6 =	sadd.s32 $0xFFFFFFFF, s6;
	[sflag:s25] =	ssyncadd.s32 $0xFFFF8000  }
0x6b: {  	_ =	sfence.sel $0x180000  }
0x6c: {  	[bflag:$0x0] =	sbarrier.arrive $0xFFFF  }
0x6d: {  	p0 =	sne.s32 s1, $0x0;
	_ =	strace $0x90000047  }
0x6e: {  	s0 =	sadd.s32 @!p0 $0x100000, s0;
	[bflag:$0x2] =	sbarrier.arrive $0xFFFF  }
0x6f: {  	[sflag:s0] =	ssyncadd.tile.s32 @!p0 $0x1;
	_ =	shalt  }
.Lfunc_end2:
_tile_overlayer_lowered:
.L_overlay_start_2:
0x70: {  	(tag) =	ssettag $0x2  }
0x71: {  	s0 =	rddreg [dreg:$0x0];
	s2 =	stileid.u32  }
0x72: {  	s1 =	rddreg [dreg:$0x1];
	p0 =	sne.s32 s2, $0x0  }
0x73: {  	s3 =	rddreg [dreg:$0x2];
	[bflag:$0x3] =	sbarrier.arrive $0xFFFF;
	s2 =	simm.s32 @!p0 $0x1C03  }
0x74: {  	[timem:s3], [sflag:s2] =	dma.local @!p0 [hbm:s0], s1  }
0x75: {  	s0 =	simm.s32 @!p0 $0x3  }
0x76: {  	_ =	swait.ge @!p0 [sflag:s0], s1  }
0x77: {  	s1 =	ssub.s32 @!p0 $0x0, s1;
	[sflag:s0] =	ssyncset.done @!p0 $0x0  }
0x78: {  	[sflag:s0] =	ssyncadd.s32 @!p0 s1  }
0x79: {  	[bflag:$0x3] =	sbarrier.arrive $0xFFFF  }
0x7a: {  	_ =	shalt  }

// kernel: kernel.9.cloned.1.call-start
scs
__scs_entry_jumppad:
0x0: {  	(pc) =	sbr.rel $0x88, $3  }
0x1: {  	(tag) =	ssettag $0x0;
	lr =	simm.s32 $0x1  }
0x2: {  	[smem:$0x3F9B] =	sst lr;
	_ =	strace $0xD0000000  }
0x3: {  	_ = 	snop  }
0x4: {  	_ = 	snop  }
0x5: {  	_ = 	snop  }
0x6: {  	_ = 	snop  }
0x7: {  	_ = 	snop  }
__scs_overlays_trampoline_lowered:
0x8: {  	[smem:$0x3FAA] =	sst s0  }
0x9: {  	[smem:$0x3FAB] =	sst s1  }
0xa: {  	[smem:$0x3FAC] =	sst s2  }
0xb: {  	[smem:$0x3FAD] =	sst s3  }
0xc: {  	[smem:$0x3FAE] =	sst s4  }
0xd: {  	[smem:$0x3FAF] =	sst s5  }
0xe: {  	[smem:$0x3FB0] =	sst s6  }
0xf: {  	[smem:$0x3FB1] =	sst s7  }
0x10: {  	[smem:$0x3FB2] =	sst s8  }
0x11: {  	[smem:$0x3FB3] =	sst s9;
	s0 =	simm.s32 @!p0 $0x0  }
0x12: {  	s1 =	sld [smem:$0x3F99];
	s0 =	simm.s32 @p0 $0x1  }
0x13: {  	[smem:$0x3FB4] =	sst s0;
	s0 =	simm.s32 @!p1 $0x0  }
0x14: {  	s2 =	sld [smem:$0x3F98];
	s0 =	simm.s32 @p1 $0x1  }
0x15: {  	[smem:$0x3FB5] =	sst s0;
	s0 =	simm.s32 @!p2 $0x0  }
0x16: {  	s3 =	sld [smem:$0x3FDB];
	s0 =	simm.s32 @p2 $0x1  }
0x17: {  	s4 =	simm.s32 $0x1BF5;
	[smem:$0x3FB7] =	sst s0  }
0x18: {  	s0 =	sld [smem:$0x3F9A];
	_ =	swait.ge [sflag:s4], $0x0  }
0x19: {  	s7 =	sld [smem:$0x3F9B]  }
0x1a: {  	s8 =	sadd.s32 $0xFFFFE003, lr  }
0x1b: {  	s9 =	sadd.s32 $0xFFFFFEF7, lr;
	s5 =	simm.s32 $0xFFFFFFFF;
	p2 =	slt.u32 s8, $0xFFFFF086  }
0x1c: {  	p1 =	slt.u32 s9, $0xF7A;
	s5 =	simm.s32 @!p2 $0x0  }
0x1d: {  	s5 =	simm.s32 @p1 $0x1;
	p0 =	seq.s32 s7, s2  }
0x1e: {  	s7 =	smul.u32 @!p0 $0xF7A, s2;
	p2 =	seq.s32 @!p0 s5, $0x0  }
0x1f: {  	s9 =	smul.u32 $0xF7A, s1;
	s8 =	simm.s32 @!p0 $0x1BF5;
	p2 =	por !p2, p0  }
0x20: {  	[sflag:s8] =	ssyncset.s32 @!p0 $0xFFFFF086;
	s6 =	sadd.s32 @!p0 s3, s7;
	s7 =	simm.s32 @!p0 $0x108  }
0x21: {  	s3 =	sadd.s32 s3, s9;
	s6 =	sadd.s32 @!p0 $0x88, s6;
	s7 =	simm.s32 @p2 $0x1082  }
0x22: {  	[simem:s7], [sflag:s8] =	dma.local @!p0 [hbm:s6], $0xF7A  }
0x23: {  	s9 =	sor.u32 $0xD0000000, s2;
	s6 =	simm.s32 $0x108;
	_ =	swait.ge @!p0 [sflag:s8], $0x0  }
0x24: {  	s3 =	sadd.s32 $0x88, s3;
	s6 =	simm.s32 @!p1 $0x1082;
	[sflag:s4] =	ssyncset.s32 $0xFFFFF086  }
0x25: {  	[simem:s6], [sflag:s4] =	dma.local [hbm:s3], $0xF7A  }
0x26: {  	[smem:$0x3F9B] =	sst s1;
	(tag) =	ssettag s2;
	_ =	strace s9  }
0x27: {  	s1 =	sld [smem:$0x3FAB]  }
0x28: {  	s2 =	sld [smem:$0x3FAC]  }
0x29: {  	s4 =	sld [smem:$0x3FAE]  }
0x2a: {  	p0 =	seq.s32 s5, $0x0;
	s5 =	sld [smem:$0x3FAF]  }
0x2b: {  	s6 =	sld [smem:$0x3FB0]  }
0x2c: {  	s7 =	sld [smem:$0x3FB1]  }
0x2d: {  	s3 =	simm.s32 $0x108;
	s8 =	sld [smem:$0x3FB2]  }
0x2e: {  	s3 =	simm.s32 @!p0 $0x1082;
	s9 =	sld [smem:$0x3FB3]  }
0x2f: {  	lr =	sadd.s32 s0, s3;
	s0 =	sld [smem:$0x3FAA]  }
0x30: {  	s3 =	sld [smem:$0x3FAD]  }
0x31: {  	[smem:$0x3FB6] =	sst s10  }
0x32: {  	s10 =	sld [smem:$0x3FB4];
	_ =	sdelay $0x3  }
0x33: {  	p0 =	seq.s32 s10, $0x1;
	s10 =	sld [smem:$0x3FB6];
	_ =	sdelay $0x3  }
0x34: {  	[smem:$0x3FB6] =	sst s10  }
0x35: {  	s10 =	sld [smem:$0x3FB5];
	_ =	sdelay $0x3  }
0x36: {  	p1 =	seq.s32 s10, $0x1;
	s10 =	sld [smem:$0x3FB6];
	_ =	sdelay $0x3  }
0x37: {  	[smem:$0x3FB6] =	sst s10  }
0x38: {  	s10 =	sld [smem:$0x3FB7]  }
0x39: {  	_ = 	snop;
	(pc) =	sbr.ind lr, $3  }
0x3a: {  	_ = 	snop  }
0x3b: {  	_ = 	snop  }
0x3c: {  	p2 =	seq.s32 s10, $0x1;
	s10 =	sld [smem:$0x3FB6]  }
0x3d: {  	_ =	shalt  }
0x3e: {  	_ =	shalt  }
0x3f: {  	_ =	shalt  }
0x40: {  	_ =	shalt  }
0x41: {  	_ =	shalt  }
0x42: {  	_ =	shalt  }
0x43: {  	_ =	shalt  }
0x44: {  	_ =	shalt  }
0x45: {  	_ =	shalt  }
0x46: {  	_ =	shalt  }
0x47: {  	_ =	shalt  }
0x48: {  	_ =	shalt  }
0x49: {  	_ =	shalt  }
0x4a: {  	_ =	shalt  }
0x4b: {  	_ =	shalt  }
0x4c: {  	_ =	shalt  }
0x4d: {  	_ =	shalt  }
0x4e: {  	_ =	shalt  }
0x4f: {  	_ =	shalt  }
0x50: {  	_ =	shalt  }
0x51: {  	_ =	shalt  }
0x52: {  	_ =	shalt  }
0x53: {  	_ =	shalt  }
0x54: {  	_ =	shalt  }
0x55: {  	_ =	shalt  }
0x56: {  	_ =	shalt  }
0x57: {  	_ =	shalt  }
0x58: {  	_ =	shalt  }
0x59: {  	_ =	shalt  }
0x5a: {  	_ =	shalt  }
0x5b: {  	_ =	shalt  }
0x5c: {  	_ =	shalt  }
0x5d: {  	_ =	shalt  }
0x5e: {  	_ =	shalt  }
0x5f: {  	_ =	shalt  }
0x60: {  	_ =	shalt  }
0x61: {  	_ =	shalt  }
0x62: {  	_ =	shalt  }
0x63: {  	_ =	shalt  }
0x64: {  	_ =	shalt  }
0x65: {  	_ =	shalt  }
0x66: {  	_ =	shalt  }
0x67: {  	_ =	shalt  }
0x68: {  	_ =	shalt  }
0x69: {  	_ =	shalt  }
0x6a: {  	_ =	shalt  }
0x6b: {  	_ =	shalt  }
0x6c: {  	_ =	shalt  }
0x6d: {  	_ =	shalt  }
0x6e: {  	_ =	shalt  }
0x6f: {  	_ =	shalt  }
0x70: {  	_ =	shalt  }
0x71: {  	_ =	shalt  }
0x72: {  	_ =	shalt  }
0x73: {  	_ =	shalt  }
0x74: {  	_ =	shalt  }
0x75: {  	_ =	shalt  }
0x76: {  	_ =	shalt  }
0x77: {  	_ =	shalt  }
0x78: {  	_ =	shalt  }
0x79: {  	_ =	shalt  }
0x7a: {  	_ =	shalt  }
0x7b: {  	_ =	shalt  }
0x7c: {  	_ =	shalt  }
0x7d: {  	_ =	shalt  }
0x7e: {  	_ =	shalt  }
0x7f: {  	_ =	shalt  }
0x80: {  	_ =	shalt  }
0x81: {  	_ =	shalt  }
0x82: {  	_ =	shalt  }
0x83: {  	_ =	shalt  }
0x84: {  	_ =	shalt  }
0x85: {  	_ =	shalt  }
0x86: {  	_ =	shalt  }
0x87: {  	_ =	shalt  }
.Lfunc_end0:
.L_simem_size_0:
called_computation.1_lowered:
.L_overlay_start_0:
0x88: {  	s2 =	sld [smem:$0x3FD9]  }
0x89: {  	s3 =	sld [smem:$0x3FFE];
	_ =	sdelay $0x1  }
0x8a: {  	s1 =	srdreg.scid  }
0x8b: {  	s0 =	sand.u32 $0x1, s1  }
0x8c: {  	s15 =	sshll.u32 s0, $0xA;
	s2 =	sadd.s32 s3, s2  }
0x8d: {  	s2 =	sadd.s32 s2, s15  }
0x8e: {  	[smem:$0x3FC2] =	sst s2  }
0x8f: {  	_ = 	snop  }
0x90: {  	s2 =	sld [smem:$0x3FD0];
	_ =	sdelay $0x2  }
0x91: {  	s4 =	simm.s32 $0xB;
	s16 =	simm.s32 $0x10  }
0x92: {  	[smem:s16], [sflag:s4] =	dma.local [hbm:s2], $0x1  }
0x93: {  	_ =	swait.eq [sflag:s4], $0x1  }
0x94: {  	[sflag:s4] =	ssyncset.done $0x0  }
0x95: {  	s17 =	sld [smem:$0x10];
	[sflag:s4] =	ssyncadd.s32 $0xFFFFFFFF  }
0x96: {  	s18 =	sld [smem:$0x12];
	(tm) =	ssettm $0x1  }
0x97: {  	s19 =	sld [smem:$0x3FFB];
	_ =	sdelay $0x3  }
0x98: {  	_ =	strace s19  }
0x99: {  	s2 =	sld [smem:$0x3FFC];
	_ =	sdelay $0x3  }
0x9a: {  	_ =	strace s2  }
0x9b: {  	s2 =	sld [smem:$0x3FFD];
	_ =	sdelay $0x3  }
0x9c: {  	_ =	strace s2  }
0x9d: {  	_ =	strace $0x8FFFFFFF  }
0x9e: {  	s20 =	sld [smem:$0x3FDB];
	_ =	sdelay $0x1  }
0x9f: {  	s5 =	simm.s32 $_scs_section_size  }
0xa0: {  	s6 =	simm.s32 $_size__tile_overlayer_lowered;
	s7 =	simm.s32 $_tile_overlayer_lowered  }
0xa1: {  	s8 =	simm.s32 $0x1BFF;
	s21 =	sshll.u32 s7, $0x1;
	s5 =	sadd.s32 s5, s20  }
0xa2: {  	s22 =	simm.s32 $0x0;
	s6 =	sshll.u32 s6, $0x1;
	s7 =	sadd.s32 s21, s5  }
0xa3: {  	[timem:s22], [sflag:s8] =	dma.local [hbm:s7], s6  }
0xa4: {  	_ =	swait.ge [sflag:s8], s6  }
0xa5: {  	s6 =	ssub.s32 $0x0, s6;
	[sflag:s8] =	ssyncset.done $0x0  }
0xa6: {  	[sflag:s8] =	ssyncadd.s32 s6;
	_ =	sdelay $0x1  }
0xa7: {  	s23 =	simm.s32 $0x1B8B  }
0xa8: {  	_ =	swait.ge [sflag:s23], $0x1  }
0xa9: {  	[sflag:s23] =	ssyncset.done $0x0  }
0xaa: {  	[sflag:s23] =	ssyncadd.s32 $0xFFFFFFFF  }
0xab: {  	s6 =	sld [smem:$0x0]  }
0xac: {  	s7 =	sand.u32 $0xFFFFFFFE, s1  }
0xad: {  	p0 =	sne.s32 s1, s7  }
0xae: {  	s7 =	sshll.u32 @p0 s7, $0xE  }
0xaf: {  	s7 =	sadd.s32 @p0 $0x11B8D, s7;
	s8 =	sshll.u32 @p0 s6, $0x11  }
0xb0: {  	s7 =	sor.u32 @p0 s8, s7  }
0xb1: {  	[sflag:s7] =	ssyncadd.remote.s32 @p0 $0x1;
	_ =	sdelay $0x1  }
0xb2: {  	s7 =	simm.s32 @p0 $0x1B8D  }
0xb3: {  	_ =	swait.eq @p0 [sflag:s7], $0x1  }
0xb4: {  	[sflag:s7] =	ssyncadd.s32 @p0 $0xFFFFFFFF  }
0xb5: {  	s8 =	sshll.u32 @!p0 s1, $0xE  }
0xb6: {  	s8 =	sor.u32 @!p0 $0x4000, s8;
	s7 =	simm.s32 @!p0 $0x1B8D  }
0xb7: {  	s6 =	sshll.u32 @!p0 s6, $0x11;
	s8 =	sadd.s32 @!p0 $0x11B8D, s8;
	_ =	swait.eq @!p0 [sflag:s7], $0x1  }
0xb8: {  	s6 =	sor.u32 @!p0 s6, s8;
	[sflag:s7] =	ssyncadd.s32 @!p0 $0xFFFFFFFF  }
0xb9: {  	s25 =	simm.s32 $0x1B8E;
	s24 =	sld [smem:$0x3FFE];
	[sflag:s6] =	ssyncadd.remote.s32 @!p0 $0x1  }
0xba: {  	s26 =	simm.s32 $execute0_lowered;
	[smem:$0x3FD2] =	sst s25  }
0xbb: {  	s7 =	sshll.u32 s26, $0x1;
	_ =	strace $0x80000049;
	[dreg:$0x1] =	wrdreg $0xFFFFFFFF  }
0xbc: {  	s28 =	simm.s32 $_size_execute0_lowered;
	s5 =	sadd.s32 s5, s7;
	[dreg:$0x0] =	wrdreg $0x0  }
0xbd: {  	s7 =	sshll.u32 s28, $0x1;
	[dreg:$0x2] =	wrdreg s5  }
0xbe: {  	[dreg:$0x3] =	wrdreg s7  }
0xbf: {  	[dreg:$0x4] =	wrdreg $0xC0  }
0xc0: {  	_ =	task [dreg:s22], $0x5FFFF  }
0xc1: {  	[dreg:$0x1] =	wrdreg $0xFFFFFFFF  }
0xc2: {  	[dreg:$0x0] =	wrdreg $0x60  }
0xc3: {  	[dreg:$0x2] =	wrdreg s18  }
0xc4: {  	[dreg:$0x3] =	wrdreg s24  }
0xc5: {  	[dreg:$0x4] =	wrdreg s17  }
0xc6: {  	[dreg:$0x5] =	wrdreg $0xA  }
0xc7: {  	_ =	task.clear_ibuf [dreg:s22], $0x6FFFF;
	_ =	strace $0x90000049  }
0xc8: {  	s29 =	simm.s32 $0xA;
	_ =	strace $0x8000004B  }
0xc9: {  	_ =	swait.ge [sflag:s29], $0x1  }
0xca: {  	[sflag:s29] =	ssyncadd.s32 $0xFFFFFFFF  }
0xcb: {  	_ =	strace $0x9000004B  }
0xcc: {  	_ =	sfence  }
0xcd: {  	s30 =	sld [smem:$0x0];
	_ =	sdelay $0x2  }
0xce: {  	s31 =	sshll.u32 s1, $0xD;
	s1 =	sshrl.u32 s1, $0x2  }
0xcf: {  	s4 =	sand.u32 $0x4000, s31;
	s1 =	sadd.s32 s1, s30  }
0xd0: {  	s0 =	sor.u32 s4, s0;
	s1 =	sshll.u32 s1, $0x11  }
0xd1: {  	s0 =	sor.u32 s1, s0  }
0xd2: {  	s0 =	sadd.s32 $0x8F2B, s0  }
0xd3: {  	[sflag:s0] =	ssyncadd.remote.s32 $0x1  }
0xd4: {  	_ =	sfence.sel $0xFFFF  }
0xd5: {  	[dreg:$0x0] =	wrdreg $0xFFFFFFFF;
	(pc) =	sbr.abs _section_cstart, $3  }
0xd6: {  	[dreg:$0x1] =	wrdreg $0xFFFFFFFF  }
0xd7: {  	_ =	task.clear_ibuf [dreg:s22], $0x2FFFF;
	_ =	strace $0x9FFFFFFF  }
0xd8: {  	(tm) =	ssettm $0x7FFFFFFF  }
0xd9: {  	_ =	shalt  }
tec
execute0_lowered:
.L_overlay_start_1:
0x0: {  	(tag) =	ssettag $0x1  }
0x1: {  	s1 =	rddreg [dreg:$0x0]  }
0x2: {  	s4 =	rddreg [dreg:$0x1];
	s2 =	srdreg.scid  }
0x3: {  	s0 =	stileid.u32;
	s5 =	rddreg [dreg:$0x2];
	s3 =	simm.s32 $0x0  }
0x4: {  	s11 =	simm.s32 $0x1100;
	s12 =	simm.s32 $0x1900;
	s13 =	simm.s32 $0x2100  }
0x5: {  	s14 =	simm.s32 $0x2900;
	s15 =	simm.s32 $0x3100;
	s16 =	simm.s32 $0x3900  }
0x6: {  	s17 =	simm.s32 $0x4100;
	s18 =	simm.s32 $0x4900;
	s19 =	simm.s32 $0x5100  }
0x7: {  	s20 =	simm.s32 $0x5900;
	s21 =	simm.s32 $0x6100;
	s22 =	simm.s32 $0x6900  }
0x8: {  	s23 =	simm.s32 $0x7100;
	s24 =	simm.s32 $0x7900;
	s28 =	simm.s32 $0x9100  }
0x9: {  	s29 =	simm.s32 $0x9900;
	s6 =	sand.u32 $0x1, s2;
	s7 =	sshll.u32 s0, $0x1  }
0xa: {  	s30 =	simm.s32 $0x1;
	s31 =	simm.s32 $0x2;
	s7 =	sor.u32 s6, s7  }
0xb: {  	s2 =	rddreg [dreg:$0x3];
	s6 =	ssub.s32 $0x2, s6;
	s8 =	smul.u32 $0xA000, s7  }
0xc: {  	[smem:$0x7FF] =	sst s3;
	s9 =	smul.u32 $0x14, s7;
	s10 =	sshrl.u32 s6, $0x1  }
0xd: {  	_ =	strace $0x8000004A;
	s7 =	smul.u32 $0x1400, s7;
	s25 =	ssub.s32 s6, s10  }
0xe: {  	s10 =	simm.s32 $0x900;
	s8 =	sshrl.u32 s8, $0x3;
	s4 =	sadd.s32 s9, s4  }
0xf: {  	v2 =	vlaneseq.u32;
	s9 =	simm.s32 $0x100;
	s26 =	sadd.s32 s5, s8;
	s4 =	sadd.s32 $0x22800, s4  }
0x10: {  	vm0 =	vmmov $0xffff;
	v1 =	vshrl.u32 v2, $0x3;
	s5 =	sadd.s32 s5, s7;
	s7 =	smax.u32 s25, $0x1;
	s8 =	simm.s32 $0x3  }
0x11: {  	v0 =	vand.u32 $0x7, v2;
	v2 =	vor.u32 $0x8, v2;
	v1 =	vmul.u32 $0x8, v1;
	s25 =	simm.s32 $0x8100;
	s6 =	sadd.s32 $0xA00, s26;
	s26 =	simm.s32 $0x8900  }
.LBB2_1:
0x12: {  	[tilespmem:s3], [sflag:$0x3] =	stream.linear.gather [hbm4b:s4+s3], $0xA0, $0x38;
	[tilespmem:$0xA100] =	vst v63  }
0x13: {  	_ =	swait.ge [sflag:s8], $0xA0  }
0x14: {  	[sflag:s8] =	ssyncset.done $0x0  }
0x15: {  	[sflag:s8] =	ssyncadd.s32 $0xFFFFFF60  }
0x16: {  	v3 =	vld [tilespmem:$0x0];
	_ =	sdelay $0x4  }
0x17: {  	v4 =	vshll.u32 v3, $0x1  }
0x18: {  	v3 =	vand.u32 $0x7, v3;
	v4 =	vand.u32 $0xFFFFFFF0, v4  }
0x19: {  	v3 =	vor.u32 v3, v4  }
0x1a: {  	v4 =	vperm.xlane v3, v0;
	_ =	sdelay $0x1  }
0x1b: {  	v3 =	vperm.xlane v3, v2;
	v4 =	vadd.s32 v1, v4;
	_ =	sdelay $0x1  }
0x1c: {  	v3 =	vadd.s32 v1, v3;
	_ =	sdelay $0x2  }
0x1d: {  	[tilespmem:s9], [sflag:$0x1] =	stream.indirect_vreg.gather [hbm4b:s1+s3], $0x80, v4, vm0, $0xb8;
	[tilespmem:$0xA100] =	vst v63  }
0x1e: {  	_ = 	snop  }
0x1f: {  	[tilespmem:s10], [sflag:$0x1] =	stream.indirect_vreg.gather [hbm4b:s1+s3], $0x80, v3, vm0, $0xb8;
	[tilespmem:$0xA100] =	vst v63  }
0x20: {  	v3 =	vld [tilespmem:$0x10];
	_ =	sdelay $0x4  }
0x21: {  	v55 =	vshll.u32 v3, $0x1  }
0x22: {  	v3 =	vand.u32 $0x7, v3;
	v4 =	vand.u32 $0xFFFFFFF0, v55  }
0x23: {  	v3 =	vor.u32 v3, v4  }
0x24: {  	v4 =	vperm.xlane v3, v0;
	_ =	sdelay $0x1  }
0x25: {  	v3 =	vperm.xlane v3, v2;
	v4 =	vadd.s32 v1, v4;
	_ =	sdelay $0x1  }
0x26: {  	v3 =	vadd.s32 v1, v3;
	_ =	sdelay $0x2  }
0x27: {  	[tilespmem:s11], [sflag:$0x1] =	stream.indirect_vreg.gather [hbm4b:s1+s3], $0x80, v4, vm0, $0xb8;
	[tilespmem:$0xA100] =	vst v63  }
0x28: {  	_ = 	snop  }
0x29: {  	[tilespmem:s12], [sflag:$0x1] =	stream.indirect_vreg.gather [hbm4b:s1+s3], $0x80, v3, vm0, $0xb8;
	[tilespmem:$0xA100] =	vst v63  }
0x2a: {  	v3 =	vld [tilespmem:$0x20];
	_ =	sdelay $0x4  }
0x2b: {  	v56 =	vshll.u32 v3, $0x1  }
0x2c: {  	v3 =	vand.u32 $0x7, v3;
	v4 =	vand.u32 $0xFFFFFFF0, v56  }
0x2d: {  	v3 =	vor.u32 v3, v4  }
0x2e: {  	v4 =	vperm.xlane v3, v0;
	_ =	sdelay $0x1  }
0x2f: {  	v3 =	vperm.xlane v3, v2;
	v4 =	vadd.s32 v1, v4;
	_ =	sdelay $0x1  }
0x30: {  	v3 =	vadd.s32 v1, v3;
	_ =	sdelay $0x2  }
0x31: {  	[tilespmem:s13], [sflag:$0x1] =	stream.indirect_vreg.gather [hbm4b:s1+s3], $0x80, v4, vm0, $0xb8;
	[tilespmem:$0xA100] =	vst v63  }
0x32: {  	_ = 	snop  }
0x33: {  	[tilespmem:s14], [sflag:$0x1] =	stream.indirect_vreg.gather [hbm4b:s1+s3], $0x80, v3, vm0, $0xb8;
	[tilespmem:$0xA100] =	vst v63  }
0x34: {  	v3 =	vld [tilespmem:$0x30];
	_ =	sdelay $0x4  }
0x35: {  	v57 =	vshll.u32 v3, $0x1  }
0x36: {  	v3 =	vand.u32 $0x7, v3;
	v4 =	vand.u32 $0xFFFFFFF0, v57  }
0x37: {  	v3 =	vor.u32 v3, v4  }
0x38: {  	v4 =	vperm.xlane v3, v0;
	_ =	sdelay $0x1  }
0x39: {  	v3 =	vperm.xlane v3, v2;
	v4 =	vadd.s32 v1, v4;
	_ =	sdelay $0x1  }
0x3a: {  	v3 =	vadd.s32 v1, v3;
	_ =	sdelay $0x2  }
0x3b: {  	[tilespmem:s15], [sflag:$0x1] =	stream.indirect_vreg.gather [hbm4b:s1+s3], $0x80, v4, vm0, $0xb8;
	[tilespmem:$0xA100] =	vst v63  }
0x3c: {  	_ = 	snop  }
0x3d: {  	[tilespmem:s16], [sflag:$0x1] =	stream.indirect_vreg.gather [hbm4b:s1+s3], $0x80, v3, vm0, $0xb8;
	[tilespmem:$0xA100] =	vst v63  }
0x3e: {  	v3 =	vld [tilespmem:$0x40];
	_ =	sdelay $0x4  }
0x3f: {  	v58 =	vshll.u32 v3, $0x1  }
0x40: {  	v3 =	vand.u32 $0x7, v3;
	v4 =	vand.u32 $0xFFFFFFF0, v58  }
0x41: {  	v3 =	vor.u32 v3, v4  }
0x42: {  	v4 =	vperm.xlane v3, v0;
	_ =	sdelay $0x1  }
0x43: {  	v3 =	vperm.xlane v3, v2;
	v4 =	vadd.s32 v1, v4;
	_ =	sdelay $0x1  }
0x44: {  	v3 =	vadd.s32 v1, v3;
	_ =	sdelay $0x2  }
0x45: {  	[tilespmem:s17], [sflag:$0x1] =	stream.indirect_vreg.gather [hbm4b:s1+s3], $0x80, v4, vm0, $0xb8;
	[tilespmem:$0xA100] =	vst v63  }
0x46: {  	_ = 	snop  }
0x47: {  	[tilespmem:s18], [sflag:$0x1] =	stream.indirect_vreg.gather [hbm4b:s1+s3], $0x80, v3, vm0, $0xb8;
	[tilespmem:$0xA100] =	vst v63  }
0x48: {  	v3 =	vld [tilespmem:$0x50];
	_ =	sdelay $0x4  }
0x49: {  	v59 =	vshll.u32 v3, $0x1  }
0x4a: {  	v3 =	vand.u32 $0x7, v3;
	v4 =	vand.u32 $0xFFFFFFF0, v59  }
0x4b: {  	v3 =	vor.u32 v3, v4  }
0x4c: {  	v4 =	vperm.xlane v3, v0;
	_ =	sdelay $0x1  }
0x4d: {  	v3 =	vperm.xlane v3, v2;
	v4 =	vadd.s32 v1, v4;
	_ =	sdelay $0x1  }
0x4e: {  	v3 =	vadd.s32 v1, v3;
	_ =	sdelay $0x2  }
0x4f: {  	[tilespmem:s19], [sflag:$0x1] =	stream.indirect_vreg.gather [hbm4b:s1+s3], $0x80, v4, vm0, $0xb8;
	[tilespmem:$0xA100] =	vst v63  }
0x50: {  	_ = 	snop  }
0x51: {  	[tilespmem:s20], [sflag:$0x1] =	stream.indirect_vreg.gather [hbm4b:s1+s3], $0x80, v3, vm0, $0xb8;
	[tilespmem:$0xA100] =	vst v63  }
0x52: {  	v3 =	vld [tilespmem:$0x60];
	_ =	sdelay $0x4  }
0x53: {  	v60 =	vshll.u32 v3, $0x1  }
0x54: {  	v3 =	vand.u32 $0x7, v3;
	v4 =	vand.u32 $0xFFFFFFF0, v60  }
0x55: {  	v3 =	vor.u32 v3, v4  }
0x56: {  	v4 =	vperm.xlane v3, v0;
	_ =	sdelay $0x1  }
0x57: {  	v3 =	vperm.xlane v3, v2;
	v4 =	vadd.s32 v1, v4;
	_ =	sdelay $0x1  }
0x58: {  	v3 =	vadd.s32 v1, v3;
	_ =	sdelay $0x2  }
0x59: {  	[tilespmem:s21], [sflag:$0x1] =	stream.indirect_vreg.gather [hbm4b:s1+s3], $0x80, v4, vm0, $0xb8;
	[tilespmem:$0xA100] =	vst v63  }
0x5a: {  	_ = 	snop  }
0x5b: {  	[tilespmem:s22], [sflag:$0x1] =	stream.indirect_vreg.gather [hbm4b:s1+s3], $0x80, v3, vm0, $0xb8;
	[tilespmem:$0xA100] =	vst v63  }
0x5c: {  	v3 =	vld [tilespmem:$0x70];
	_ =	sdelay $0x4  }
0x5d: {  	v61 =	vshll.u32 v3, $0x1  }
0x5e: {  	v3 =	vand.u32 $0x7, v3;
	v4 =	vand.u32 $0xFFFFFFF0, v61  }
0x5f: {  	v3 =	vor.u32 v3, v4  }
0x60: {  	v4 =	vperm.xlane v3, v0;
	_ =	sdelay $0x1  }
0x61: {  	v3 =	vperm.xlane v3, v2;
	v4 =	vadd.s32 v1, v4;
	_ =	sdelay $0x1  }
0x62: {  	v3 =	vadd.s32 v1, v3;
	_ =	sdelay $0x2  }
0x63: {  	[tilespmem:s23], [sflag:$0x1] =	stream.indirect_vreg.gather [hbm4b:s1+s3], $0x80, v4, vm0, $0xb8;
	[tilespmem:$0xA100] =	vst v63  }
0x64: {  	_ = 	snop  }
0x65: {  	[tilespmem:s24], [sflag:$0x1] =	stream.indirect_vreg.gather [hbm4b:s1+s3], $0x80, v3, vm0, $0xb8;
	[tilespmem:$0xA100] =	vst v63  }
0x66: {  	v3 =	vld [tilespmem:$0x80];
	_ =	sdelay $0x4  }
0x67: {  	v62 =	vshll.u32 v3, $0x1  }
0x68: {  	v3 =	vand.u32 $0x7, v3;
	v4 =	vand.u32 $0xFFFFFFF0, v62  }
0x69: {  	v3 =	vor.u32 v3, v4  }
0x6a: {  	v4 =	vperm.xlane v3, v0;
	_ =	sdelay $0x1  }
0x6b: {  	v3 =	vperm.xlane v3, v2;
	v4 =	vadd.s32 v1, v4;
	_ =	sdelay $0x1  }
0x6c: {  	v3 =	vadd.s32 v1, v3;
	_ =	sdelay $0x2  }
0x6d: {  	[tilespmem:s25], [sflag:$0x1] =	stream.indirect_vreg.gather [hbm4b:s1+s3], $0x80, v4, vm0, $0xb8;
	[tilespmem:$0xA100] =	vst v63  }
0x6e: {  	_ = 	snop  }
0x6f: {  	[tilespmem:s26], [sflag:$0x1] =	stream.indirect_vreg.gather [hbm4b:s1+s3], $0x80, v3, vm0, $0xb8;
	[tilespmem:$0xA100] =	vst v63  }
0x70: {  	v3 =	vld [tilespmem:$0x90];
	_ =	sdelay $0x4  }
0x71: {  	v63 =	vshll.u32 v3, $0x1  }
0x72: {  	v3 =	vand.u32 $0x7, v3;
	v4 =	vand.u32 $0xFFFFFFF0, v63  }
0x73: {  	v3 =	vor.u32 v3, v4  }
0x74: {  	v4 =	vperm.xlane v3, v0;
	_ =	sdelay $0x1  }
0x75: {  	v3 =	vperm.xlane v3, v2;
	v4 =	vadd.s32 v1, v4;
	_ =	sdelay $0x1  }
0x76: {  	v3 =	vadd.s32 v1, v3;
	_ =	sdelay $0x2  }
0x77: {  	[tilespmem:s28], [sflag:$0x1] =	stream.indirect_vreg.gather [hbm4b:s1+s3], $0x80, v4, vm0, $0xb8;
	[tilespmem:$0xA100] =	vst v63  }
0x78: {  	_ = 	snop  }
0x79: {  	[tilespmem:s29], [sflag:$0x1] =	stream.indirect_vreg.gather [hbm4b:s1+s3], $0x80, v3, vm0, $0xb8;
	[tilespmem:$0xA100] =	vst v63  }
0x7a: {  	_ =	swait.ge [sflag:s30], $0x5000  }
0x7b: {  	[sflag:s30] =	ssyncset.done $0x0  }
0x7c: {  	[sflag:s30] =	ssyncadd.s32 $0xFFFFB000  }
0x7d: {  	[hbm4b:s5+s3] =	stream.linear.scatter [tilespmem:s9], [sflag:$0x2], $0x5000, $0x38;
	[tilespmem:$0xA100] =	vst v63  }
0x7e: {  	_ =	swait.ge [sflag:s30], $0x5000  }
0x7f: {  	[sflag:s30] =	ssyncset.done $0x0  }
0x80: {  	[sflag:s30] =	ssyncadd.s32 $0xFFFFB000  }
0x81: {  	[hbm4b:s6+s3] =	stream.linear.scatter [tilespmem:s19], [sflag:$0x2], $0x5000, $0x38;
	[tilespmem:$0xA100] =	vst v63  }
0x82: {  	p0 =	sne.s32 s7, $0x1;
	_ =	swait.ge [sflag:s31], $0x5000  }
.Ltmp0:
0x83: {  	[sflag:s31] =	ssyncset.done $0x0;
	(pc) =	sbr.rel @p0 .LBB2_1-.Ltmp0, $4  }
0x84: {  	[sflag:s31] =	ssyncadd.s32 $0xFFFFB000  }
0x85: {  	_ =	swait.ge [sflag:s31], $0x5000  }
0x86: {  	[sflag:s31] =	ssyncset.done $0x0  }
0x87: {  	s7 =	sadd.s32 $0xFFFFFFFF, s7;
	[sflag:s31] =	ssyncadd.s32 $0xFFFFB000  }
0x88: {  	_ =	sfence.sel $0x180000  }
0x89: {  	[bflag:$0x0] =	sbarrier.arrive $0xFFFF  }
0x8a: {  	p0 =	sne.s32 s0, $0x0;
	_ =	strace $0x9000004A  }
0x8b: {  	s0 =	sadd.s32 @!p0 $0x100000, s2;
	[bflag:$0x2] =	sbarrier.arrive $0xFFFF  }
0x8c: {  	[sflag:s0] =	ssyncadd.tile.s32 @!p0 $0x1;
	_ =	shalt  }
.Lfunc_end2:
_tile_overlayer_lowered:
.L_overlay_start_2:
0x8d: {  	(tag) =	ssettag $0x2  }
0x8e: {  	s0 =	rddreg [dreg:$0x0];
	s2 =	stileid.u32  }
0x8f: {  	s1 =	rddreg [dreg:$0x1];
	p0 =	sne.s32 s2, $0x0  }
0x90: {  	s3 =	rddreg [dreg:$0x2];
	[bflag:$0x3] =	sbarrier.arrive $0xFFFF;
	s2 =	simm.s32 @!p0 $0x1C03  }
0x91: {  	[timem:s3], [sflag:s2] =	dma.local @!p0 [hbm:s0], s1  }
0x92: {  	s0 =	simm.s32 @!p0 $0x3  }
0x93: {  	_ =	swait.ge @!p0 [sflag:s0], s1  }
0x94: {  	s1 =	ssub.s32 @!p0 $0x0, s1;
	[sflag:s0] =	ssyncset.done @!p0 $0x0  }
0x95: {  	[sflag:s0] =	ssyncadd.s32 @!p0 s1  }
0x96: {  	[bflag:$0x3] =	sbarrier.arrive $0xFFFF  }
0x97: {  	_ =	shalt  }

</sc_bundles>
